<compile_context>
chip_gen: v7x
topology: tpu7x:2x2x1
jax: 0.10.2.dev20260603
libtpu: 0.0.44.dev20260713+nightly
codegen_flags: <defaults>
</compile_context>

<pallas_src>
import functools

import jax
import jax.numpy as jnp
from jax import lax
from jax.experimental import pallas as pl
from jax.experimental.pallas import tpu as pltpu
from jax.experimental.pallas import tpu_sc as plsc

_B, _C, _H, _W = 16, 16, 320, 320
_HW = _H * _W
_R, _L = 800, 128
_K = 25600
_SP = 0.25
_ONE_BITS = 0x3F800001

_NROW = _B * _C
_NW = 32
_CPT = _HW // _NW
_RCH = 4
_NCH = _NROW // _RCH
_NBUF = 4


def _mask_body(w_ref, mask_ref, mout_ref):
    x = w_ref[...]
    prob = jax.nn.sigmoid(x)
    xbar = jnp.mean(prob)
    r = _SP / xbar
    beta = (1.0 - _SP) / (1.0 - xbar)
    le = (r <= 1.0).astype(jnp.float32)
    resc = le * (prob * r) + (1.0 - le) * (1.0 - (1.0 - prob) * beta)
    bits = lax.bitcast_convert_type(resc, jnp.int32)

    def body(_, lohi):
        lo, hi = lohi
        mid = (lo + hi) // 2
        cnt = jnp.sum((bits >= mid).astype(jnp.int32))
        ok = cnt >= _K
        return jnp.where(ok, mid, lo), jnp.where(ok, hi, mid)

    lo, _hi = lax.fori_loop(0, 31, body, (jnp.int32(0), jnp.int32(_ONE_BITS)))
    m = (bits >= lo).astype(jnp.float32)
    mask_ref[...] = m
    mout_ref[...] = jnp.broadcast_to(m[None], (_B, _R, _L))


_sc_mesh = plsc.VectorSubcoreMesh(core_axis_name="c", subcore_axis_name="s")


@functools.partial(
    pl.kernel,
    mesh=_sc_mesh,
    out_type=jax.ShapeDtypeStruct((_NROW, _HW), jnp.float32),
    scratch_types=(
        [pltpu.VMEM((_RCH, _CPT), jnp.float32)] * (2 * _NBUF)
        + [pltpu.VMEM((_CPT,), jnp.float32)]
        + [pltpu.SemaphoreType.DMA] * (2 * _NBUF)
    ),
)
def _sc_mul(ks_hbm, mask_hbm, out_hbm, *bufs):
    ibs = bufs[0:_NBUF]
    obs = bufs[_NBUF:2 * _NBUF]
    mbuf = bufs[2 * _NBUF]
    sis = bufs[2 * _NBUF + 1:3 * _NBUF + 1]
    sos = bufs[3 * _NBUF + 1:4 * _NBUF + 1]
    wid = lax.axis_index("s") * 2 + lax.axis_index("c")
    c0 = wid * _CPT
    pltpu.sync_copy(mask_hbm.at[pl.ds(c0, _CPT)], mbuf)

    def src(c):
        return ks_hbm.at[pl.ds(c * _RCH, _RCH), pl.ds(c0, _CPT)]

    def dst(c):
        return out_hbm.at[pl.ds(c * _RCH, _RCH), pl.ds(c0, _CPT)]

    def compute(ib, ob):
        def inner(l, carry2):
            s = pl.multiple_of(l * 16, 16)
            m = mbuf[pl.ds(s, 16)]
            for r in range(_RCH):
                ob[r, pl.ds(s, 16)] = ib[r, pl.ds(s, 16)] * m
            return carry2

        lax.fori_loop(0, _CPT // 16, inner, 0)

    for b in range(_NBUF):
        pltpu.async_copy(src(b), ibs[b], sis[b])

    def round_(i, carry):
        for b in range(_NBUF):
            c = i * _NBUF + b

            @pl.when(i >= 1)
            def _():
                pltpu.make_async_copy(src(0), obs[b], sos[b]).wait()

            pltpu.make_async_copy(src(0), ibs[b], sis[b]).wait()
            compute(ibs[b], obs[b])

            @pl.when(c + _NBUF < _NCH)
            def _():
                pltpu.async_copy(src(c + _NBUF), ibs[b], sis[b])

            pltpu.async_copy(obs[b], dst(c), sos[b])

        return carry

    lax.fori_loop(0, _NCH // _NBUF, round_, 0)
    for b in range(_NBUF):
        pltpu.make_async_copy(src(0), obs[b], sos[b]).wait()


def kernel(kspace, weights):
    ks = kspace.reshape(_NROW, _HW)
    w = weights.reshape(_R, _L)
    mask2d, mout = pl.pallas_call(
        _mask_body,
        in_specs=[pl.BlockSpec((_R, _L), lambda: (0, 0))],
        out_specs=[
            pl.BlockSpec((_R, _L), lambda: (0, 0)),
            pl.BlockSpec((_B, _R, _L), lambda: (0, 0, 0)),
        ],
        out_shape=[
            jax.ShapeDtypeStruct((_R, _L), jnp.float32),
            jax.ShapeDtypeStruct((_B, _R, _L), jnp.float32),
        ],
    )(w)
    out = _sc_mul(ks, mask2d.reshape(_HW))
    return out.reshape(_B, _C, _H, _W), mout.reshape(_B, _H, _W)

# --- scband reference (transcript-rebuilt; emitter-appended) ---
"""Pipeline reference for scband-loupelike-sampler-5007931867274 (READ-ONLY COPY).

The authoritative reference and input builder live on the scoring server;
editing this copy changes nothing except your own understanding.
"""

import jax, jax.numpy as jnp
import numpy as np

H, W = 320, 320
ACCEL = 4
BUDGET = 1.0 / ACCEL  # preselect disabled -> sampler_budget = 1/acceleration
B, C = 16, 16


def setup_inputs(seed: int = 0) -> dict:
    key = jax.random.key(seed)
    k1, k2 = jax.random.split(key)
    kspace = jax.random.normal(k1, (B, C, H, W), dtype=jnp.float32)
    # Learned LOUPE probability-map logits (get_probability_mask = sigmoid(weights))
    weights = jax.random.normal(k2, (H, W), dtype=jnp.float32)
    return {"kspace": kspace, "weights": weights}


def rescale_prob_map(x, sparsity):
    # Per-sample rescale so the mean of the prob map equals the sampling budget
    reduce_axes = tuple(range(1, x.ndim))
    xbar = jnp.mean(x, axis=reduce_axes, keepdims=True)
    r = sparsity / xbar
    beta = (1.0 - sparsity) / (1.0 - xbar)
    le = (r <= 1.0).astype(x.dtype)
    return le * x * r + (1.0 - le) * (1.0 - (1.0 - x) * beta)


def maximum_binarize(x, sparsity):
    # Eval-mode binarization: keep the top (sparsity * numel) entries per sample
    b = x.shape[0]
    flat = x.reshape(b, -1)
    k = int(round(sparsity * flat.shape[1]))
    vals, _ = jax.lax.top_k(flat, k)
    thresh = vals[:, -1:]
    mask = (flat >= thresh).astype(x.dtype)
    return mask.reshape(x.shape)


def reference(kspace, weights):
    b = kspace.shape[0]
    # get_probability_mask: learned sigmoid prob map broadcast over batch
    prob = jax.nn.sigmoid(weights)
    mask_prob = jnp.broadcast_to(prob[None, :, :], (b, H, W))
    # no preselect (preselect_num == 0 and preselect_ratio == 0)
    mask_rescaled = rescale_prob_map(mask_prob, BUDGET)
    # eval path, line_constrained=False -> MaximumBinarize
    mask_binarized = maximum_binarize(mask_rescaled, BUDGET)
    # mask dim (3) != kspace dim (4) -> unsqueeze coil dim
    mb = mask_binarized[:, None, :, :]
    kspace_masked = mb * kspace
    return (kspace_masked, mask_binarized)

if __name__ == "__main__":
    import jax
    _d = setup_inputs()
    print(jax.jit(kernel)(*tuple(_d.values())))

</pallas_src>

<mosaic_0001>
#map = affine_map<(d0, d1) -> (0, 0)>
#map1 = affine_map<(d0, d1) -> (0)>
module attributes {stable_mosaic.version = 14 : i64} {
  func.func @_sc_mul(%arg0: i32, %arg1: i32, %arg2: memref<256x102400xf32, #tpu.memory_space<hbm>>, %arg3: memref<102400xf32, #tpu.memory_space<hbm>>, %arg4: memref<256x102400xf32, #tpu.memory_space<hbm>>, %arg5: memref<4x3200xf32, #tpu.memory_space<vmem>>, %arg6: memref<4x3200xf32, #tpu.memory_space<vmem>>, %arg7: memref<4x3200xf32, #tpu.memory_space<vmem>>, %arg8: memref<4x3200xf32, #tpu.memory_space<vmem>>, %arg9: memref<4x3200xf32, #tpu.memory_space<vmem>>, %arg10: memref<4x3200xf32, #tpu.memory_space<vmem>>, %arg11: memref<4x3200xf32, #tpu.memory_space<vmem>>, %arg12: memref<4x3200xf32, #tpu.memory_space<vmem>>, %arg13: memref<3200xf32, #tpu.memory_space<vmem>>, %arg14: memref<!tpu.dma_semaphore, #tpu.memory_space<semaphore_mem>>, %arg15: memref<!tpu.dma_semaphore, #tpu.memory_space<semaphore_mem>>, %arg16: memref<!tpu.dma_semaphore, #tpu.memory_space<semaphore_mem>>, %arg17: memref<!tpu.dma_semaphore, #tpu.memory_space<semaphore_mem>>, %arg18: memref<!tpu.dma_semaphore, #tpu.memory_space<semaphore_mem>>, %arg19: memref<!tpu.dma_semaphore, #tpu.memory_space<semaphore_mem>>, %arg20: memref<!tpu.dma_semaphore, #tpu.memory_space<semaphore_mem>>, %arg21: memref<!tpu.dma_semaphore, #tpu.memory_space<semaphore_mem>>) attributes {dimension_semantics = [#tpu.dimension_semantics<core_parallel>, #tpu.dimension_semantics<subcore_parallel>], iteration_bounds = array<i64: 2, 16>, scalar_prefetch = 0 : i64, scratch_operands = 17 : i64, tpu.core_type = #tpu.core_type<sc_vector_subcore>, window_params = [{transform_indices = #map}, {transform_indices = #map1}, {transform_indices = #map}]} {
    %mul3A = arith.constant 2 : i32
    %mul3A_0 = arith.muli %arg1, %mul3A : i32
    %add3A = arith.addi %mul3A_0, %arg0 : i32
    %mul3A_1 = arith.constant 3200 : i32
    %mul3A_2 = arith.muli %add3A, %mul3A_1 : i32
    "tpu.region"() ({
      %run_scoped3A = tpu.sem_alloc : memref<!tpu.dma_semaphore, #tpu.memory_space<semaphore_mem>>
      %dma_start3A_38 = tpu.memref_slice %arg3[%mul3A_2] : memref<102400xf32, #tpu.memory_space<hbm>> -> memref<3200xf32, #tpu.memory_space<hbm>>
      %dma_start3A_39 = tpu.memref_slice %arg3[%mul3A_2] : memref<102400xf32, #tpu.memory_space<hbm>> -> memref<3200xf32, #tpu.memory_space<hbm>>
      tpu.enqueue_dma source(%dma_start3A_39 : memref<3200xf32, #tpu.memory_space<hbm>>) target(%arg13 : memref<3200xf32, #tpu.memory_space<vmem>>) target_semaphore(%run_scoped3A : memref<!tpu.dma_semaphore, #tpu.memory_space<semaphore_mem>>)
      %dma_wait3A_40 = tpu.memref_slice %arg3[%mul3A_2] : memref<102400xf32, #tpu.memory_space<hbm>> -> memref<3200xf32, #tpu.memory_space<hbm>>
      %dma_wait3A_41 = tpu.memref_slice %arg3[%mul3A_2] : memref<102400xf32, #tpu.memory_space<hbm>> -> memref<3200xf32, #tpu.memory_space<hbm>>
      tpu.wait_dma2 semaphore(%run_scoped3A : memref<!tpu.dma_semaphore, #tpu.memory_space<semaphore_mem>>) src(%dma_wait3A_41 : memref<3200xf32, #tpu.memory_space<hbm>>) dst(%arg13 : memref<3200xf32, #tpu.memory_space<vmem>>)
      tpu.yield
    }) : () -> ()
    %dma_start3A = arith.constant 0 : i32
    %dma_start3A_3 = tpu.memref_slice %arg2[%dma_start3A, %mul3A_2] : memref<256x102400xf32, #tpu.memory_space<hbm>> -> memref<4x3200xf32, #tpu.memory_space<hbm>>
    %dma_start3A_4 = arith.constant 0 : i32
    %dma_start3A_5 = tpu.memref_slice %arg2[%dma_start3A_4, %mul3A_2] : memref<256x102400xf32, #tpu.memory_space<hbm>> -> memref<4x3200xf32, #tpu.memory_space<hbm>>
    tpu.enqueue_dma source(%dma_start3A_5 : memref<4x3200xf32, #tpu.memory_space<hbm>>) target(%arg5 : memref<4x3200xf32, #tpu.memory_space<vmem>>) target_semaphore(%arg14 : memref<!tpu.dma_semaphore, #tpu.memory_space<semaphore_mem>>)
    %dma_start3A_6 = arith.constant 4 : i32
    %dma_start3A_7 = tpu.memref_slice %arg2[%dma_start3A_6, %mul3A_2] : memref<256x102400xf32, #tpu.memory_space<hbm>> -> memref<4x3200xf32, #tpu.memory_space<hbm>>
    %dma_start3A_8 = arith.constant 4 : i32
    %dma_start3A_9 = tpu.memref_slice %arg2[%dma_start3A_8, %mul3A_2] : memref<256x102400xf32, #tpu.memory_space<hbm>> -> memref<4x3200xf32, #tpu.memory_space<hbm>>
    tpu.enqueue_dma source(%dma_start3A_9 : memref<4x3200xf32, #tpu.memory_space<hbm>>) target(%arg6 : memref<4x3200xf32, #tpu.memory_space<vmem>>) target_semaphore(%arg15 : memref<!tpu.dma_semaphore, #tpu.memory_space<semaphore_mem>>)
    %dma_start3A_10 = arith.constant 8 : i32
    %dma_start3A_11 = tpu.memref_slice %arg2[%dma_start3A_10, %mul3A_2] : memref<256x102400xf32, #tpu.memory_space<hbm>> -> memref<4x3200xf32, #tpu.memory_space<hbm>>
    %dma_start3A_12 = arith.constant 8 : i32
    %dma_start3A_13 = tpu.memref_slice %arg2[%dma_start3A_12, %mul3A_2] : memref<256x102400xf32, #tpu.memory_space<hbm>> -> memref<4x3200xf32, #tpu.memory_space<hbm>>
    tpu.enqueue_dma source(%dma_start3A_13 : memref<4x3200xf32, #tpu.memory_space<hbm>>) target(%arg7 : memref<4x3200xf32, #tpu.memory_space<vmem>>) target_semaphore(%arg16 : memref<!tpu.dma_semaphore, #tpu.memory_space<semaphore_mem>>)
    %dma_start3A_14 = arith.constant 12 : i32
    %dma_start3A_15 = tpu.memref_slice %arg2[%dma_start3A_14, %mul3A_2] : memref<256x102400xf32, #tpu.memory_space<hbm>> -> memref<4x3200xf32, #tpu.memory_space<hbm>>
    %dma_start3A_16 = arith.constant 12 : i32
    %dma_start3A_17 = tpu.memref_slice %arg2[%dma_start3A_16, %mul3A_2] : memref<256x102400xf32, #tpu.memory_space<hbm>> -> memref<4x3200xf32, #tpu.memory_space<hbm>>
    tpu.enqueue_dma source(%dma_start3A_17 : memref<4x3200xf32, #tpu.memory_space<hbm>>) target(%arg8 : memref<4x3200xf32, #tpu.memory_space<vmem>>) target_semaphore(%arg17 : memref<!tpu.dma_semaphore, #tpu.memory_space<semaphore_mem>>)
    %scan3A = arith.constant 0 : i32
    %scan3A_18 = arith.constant 0 : i32
    %scan3A_19 = arith.constant 16 : i32
    %scan3A_20 = arith.addi %scan3A_18, %scan3A_19 : i32
    %scan3A_21 = arith.constant 1 : i32
    scf.for %scan3A_38 = %scan3A_18 to %scan3A_20 step %scan3A_21  : i32 {
      %mul3A_39 = arith.constant 4 : i32
      %mul3A_40 = arith.muli %scan3A_38, %mul3A_39 : i32
      %add3A_41 = arith.constant 0 : i32
      %add3A_42 = arith.addi %mul3A_40, %add3A_41 : i32
      %ge3A = arith.constant 1 : i32
      %ge3A_43 = arith.cmpi sge, %scan3A_38, %ge3A : i32
      %convert_element_type3A = arith.extui %ge3A_43 : i1 to i32
      %cond3A = arith.constant 0 : i32
      %cond3A_44 = arith.cmpi ne, %convert_element_type3A, %cond3A : i32
      scf.if %cond3A_44 {
        %dma_wait3A_155 = arith.constant 0 : i32
        %dma_wait3A_156 = tpu.memref_slice %arg2[%dma_wait3A_155, %mul3A_2] : memref<256x102400xf32, #tpu.memory_space<hbm>> -> memref<4x3200xf32, #tpu.memory_space<hbm>>
        %dma_wait3A_157 = arith.constant 0 : i32
        %dma_wait3A_158 = tpu.memref_slice %arg2[%dma_wait3A_157, %mul3A_2] : memref<256x102400xf32, #tpu.memory_space<hbm>> -> memref<4x3200xf32, #tpu.memory_space<hbm>>
        tpu.wait_dma2 semaphore(%arg18 : memref<!tpu.dma_semaphore, #tpu.memory_space<semaphore_mem>>) src(%dma_wait3A_158 : memref<4x3200xf32, #tpu.memory_space<hbm>>) dst(%arg9 : memref<4x3200xf32, #tpu.memory_space<vmem>>)
      } else {
      }
      %dma_wait3A_45 = arith.constant 0 : i32
      %dma_wait3A_46 = tpu.memref_slice %arg2[%dma_wait3A_45, %mul3A_2] : memref<256x102400xf32, #tpu.memory_space<hbm>> -> memref<4x3200xf32, #tpu.memory_space<hbm>>
      %dma_wait3A_47 = arith.constant 0 : i32
      %dma_wait3A_48 = tpu.memref_slice %arg2[%dma_wait3A_47, %mul3A_2] : memref<256x102400xf32, #tpu.memory_space<hbm>> -> memref<4x3200xf32, #tpu.memory_space<hbm>>
      tpu.wait_dma2 semaphore(%arg14 : memref<!tpu.dma_semaphore, #tpu.memory_space<semaphore_mem>>) src(%dma_wait3A_48 : memref<4x3200xf32, #tpu.memory_space<hbm>>) dst(%arg5 : memref<4x3200xf32, #tpu.memory_space<vmem>>)
      %scan3A_49 = arith.constant 0 : i32
      %scan3A_50 = arith.constant 0 : i32
      %scan3A_51 = arith.constant 200 : i32
      %scan3A_52 = arith.addi %scan3A_50, %scan3A_51 : i32
      %scan3A_53 = arith.constant 1 : i32
      scf.for %scan3A_155 = %scan3A_50 to %scan3A_52 step %scan3A_53  : i32 {
        %mul3A_156 = arith.constant 16 : i32
        %mul3A_157 = arith.muli %scan3A_155, %mul3A_156 : i32
        %multiple_of3A = tpu.assume_multiple %mul3A_157, 16 : i32
        %get3A = arith.index_cast %multiple_of3A : i32 to index
        %get3A_158 = tpu.vector_load %arg13[%get3A] {strides = array<i32>} : memref<3200xf32, #tpu.memory_space<vmem>>, vector<16xf32>,
        %get3A_159 = vector.shape_cast %get3A_158 : vector<16xf32> to vector<16xf32>
        %get3A_160 = arith.constant 0 : i32
        %get3A_161 = arith.index_cast %get3A_160 : i32 to index
        %get3A_162 = arith.index_cast %multiple_of3A : i32 to index
        %get3A_163 = tpu.vector_load %arg5[%get3A_161, %get3A_162] {strides = array<i32>} : memref<4x3200xf32, #tpu.memory_space<vmem>>, vector<1x16xf32>,
        %get3A_164 = vector.shape_cast %get3A_163 : vector<1x16xf32> to vector<16xf32>
        %mul3A_165 = arith.mulf %get3A_164, %get3A_159 : vector<16xf32>
        %swap3A = arith.constant 0 : i32
        %swap3A_166 = arith.index_cast %swap3A : i32 to index
        %swap3A_167 = arith.index_cast %multiple_of3A : i32 to index
        %swap3A_168 = tpu.vector_load %arg9[%swap3A_166, %swap3A_167] {strides = array<i32>} : memref<4x3200xf32, #tpu.memory_space<vmem>>, vector<1x16xf32>,
        %swap3A_169 = vector.shape_cast %swap3A_168 : vector<1x16xf32> to vector<16xf32>
        %swap3A_170 = vector.shape_cast %mul3A_165 : vector<16xf32> to vector<1x16xf32>
        tpu.vector_store %arg9[%swap3A_166, %swap3A_167], %swap3A_170 {strides = array<i32>} : memref<4x3200xf32, #tpu.memory_space<vmem>>, vector<1x16xf32>,
        %get3A_171 = arith.constant 1 : i32
        %get3A_172 = arith.index_cast %get3A_171 : i32 to index
        %get3A_173 = arith.index_cast %multiple_of3A : i32 to index
        %get3A_174 = tpu.vector_load %arg5[%get3A_172, %get3A_173] {strides = array<i32>} : memref<4x3200xf32, #tpu.memory_space<vmem>>, vector<1x16xf32>,
        %get3A_175 = vector.shape_cast %get3A_174 : vector<1x16xf32> to vector<16xf32>
        %mul3A_176 = arith.mulf %get3A_175, %get3A_159 : vector<16xf32>
        %swap3A_177 = arith.constant 1 : i32
        %swap3A_178 = arith.index_cast %swap3A_177 : i32 to index
        %swap3A_179 = arith.index_cast %multiple_of3A : i32 to index
        %swap3A_180 = tpu.vector_load %arg9[%swap3A_178, %swap3A_179] {strides = array<i32>} : memref<4x3200xf32, #tpu.memory_space<vmem>>, vector<1x16xf32>,
        %swap3A_181 = vector.shape_cast %swap3A_180 : vector<1x16xf32> to vector<16xf32>
        %swap3A_182 = vector.shape_cast %mul3A_176 : vector<16xf32> to vector<1x16xf32>
        tpu.vector_store %arg9[%swap3A_178, %swap3A_179], %swap3A_182 {strides = array<i32>} : memref<4x3200xf32, #tpu.memory_space<vmem>>, vector<1x16xf32>,
        %get3A_183 = arith.constant 2 : i32
        %get3A_184 = arith.index_cast %get3A_183 : i32 to index
        %get3A_185 = arith.index_cast %multiple_of3A : i32 to index
        %get3A_186 = tpu.vector_load %arg5[%get3A_184, %get3A_185] {strides = array<i32>} : memref<4x3200xf32, #tpu.memory_space<vmem>>, vector<1x16xf32>,
        %get3A_187 = vector.shape_cast %get3A_186 : vector<1x16xf32> to vector<16xf32>
        %mul3A_188 = arith.mulf %get3A_187, %get3A_159 : vector<16xf32>
        %swap3A_189 = arith.constant 2 : i32
        %swap3A_190 = arith.index_cast %swap3A_189 : i32 to index
        %swap3A_191 = arith.index_cast %multiple_of3A : i32 to index
        %swap3A_192 = tpu.vector_load %arg9[%swap3A_190, %swap3A_191] {strides = array<i32>} : memref<4x3200xf32, #tpu.memory_space<vmem>>, vector<1x16xf32>,
        %swap3A_193 = vector.shape_cast %swap3A_192 : vector<1x16xf32> to vector<16xf32>
        %swap3A_194 = vector.shape_cast %mul3A_188 : vector<16xf32> to vector<1x16xf32>
        tpu.vector_store %arg9[%swap3A_190, %swap3A_191], %swap3A_194 {strides = array<i32>} : memref<4x3200xf32, #tpu.memory_space<vmem>>, vector<1x16xf32>,
        %get3A_195 = arith.constant 3 : i32
        %get3A_196 = arith.index_cast %get3A_195 : i32 to index
        %get3A_197 = arith.index_cast %multiple_of3A : i32 to index
        %get3A_198 = tpu.vector_load %arg5[%get3A_196, %get3A_197] {strides = array<i32>} : memref<4x3200xf32, #tpu.memory_space<vmem>>, vector<1x16xf32>,
        %get3A_199 = vector.shape_cast %get3A_198 : vector<1x16xf32> to vector<16xf32>
        %mul3A_200 = arith.mulf %get3A_199, %get3A_159 : vector<16xf32>
        %swap3A_201 = arith.constant 3 : i32
        %swap3A_202 = arith.index_cast %swap3A_201 : i32 to index
        %swap3A_203 = arith.index_cast %multiple_of3A : i32 to index
        %swap3A_204 = tpu.vector_load %arg9[%swap3A_202, %swap3A_203] {strides = array<i32>} : memref<4x3200xf32, #tpu.memory_space<vmem>>, vector<1x16xf32>,
        %swap3A_205 = vector.shape_cast %swap3A_204 : vector<1x16xf32> to vector<16xf32>
        %swap3A_206 = vector.shape_cast %mul3A_200 : vector<16xf32> to vector<1x16xf32>
        tpu.vector_store %arg9[%swap3A_202, %swap3A_203], %swap3A_206 {strides = array<i32>} : memref<4x3200xf32, #tpu.memory_space<vmem>>, vector<1x16xf32>,
      }
      %scan3A_54 = arith.constant 200 : i32
      %add3A_55 = arith.constant 4 : i32
      %add3A_56 = arith.addi %add3A_42, %add3A_55 : i32
      %lt3A = arith.constant 64 : i32
      %lt3A_57 = arith.cmpi slt, %add3A_56, %lt3A : i32
      %convert_element_type3A_58 = arith.extui %lt3A_57 : i1 to i32
      %cond3A_59 = arith.constant 0 : i32
      %cond3A_60 = arith.cmpi ne, %convert_element_type3A_58, %cond3A_59 : i32
      scf.if %cond3A_60 {
        %add3A_155 = arith.constant 4 : i32
        %add3A_156 = arith.addi %add3A_42, %add3A_155 : i32
        %mul3A_157 = arith.constant 4 : i32
        %mul3A_158 = arith.muli %add3A_156, %mul3A_157 : i32
        %dma_start3A_159 = tpu.memref_slice %arg2[%mul3A_158, %mul3A_2] : memref<256x102400xf32, #tpu.memory_space<hbm>> -> memref<4x3200xf32, #tpu.memory_space<hbm>>
        %dma_start3A_160 = tpu.memref_slice %arg2[%mul3A_158, %mul3A_2] : memref<256x102400xf32, #tpu.memory_space<hbm>> -> memref<4x3200xf32, #tpu.memory_space<hbm>>
        tpu.enqueue_dma source(%dma_start3A_160 : memref<4x3200xf32, #tpu.memory_space<hbm>>) target(%arg5 : memref<4x3200xf32, #tpu.memory_space<vmem>>) target_semaphore(%arg14 : memref<!tpu.dma_semaphore, #tpu.memory_space<semaphore_mem>>)
      } else {
      }
      %mul3A_61 = arith.constant 4 : i32
      %mul3A_62 = arith.muli %add3A_42, %mul3A_61 : i32
      %dma_start3A_63 = tpu.memref_slice %arg4[%mul3A_62, %mul3A_2] : memref<256x102400xf32, #tpu.memory_space<hbm>> -> memref<4x3200xf32, #tpu.memory_space<hbm>>
      %dma_start3A_64 = tpu.memref_slice %arg4[%mul3A_62, %mul3A_2] : memref<256x102400xf32, #tpu.memory_space<hbm>> -> memref<4x3200xf32, #tpu.memory_space<hbm>>
      tpu.enqueue_dma source(%arg9 : memref<4x3200xf32, #tpu.memory_space<vmem>>) target(%dma_start3A_64 : memref<4x3200xf32, #tpu.memory_space<hbm>>) target_semaphore(%arg18 : memref<!tpu.dma_semaphore, #tpu.memory_space<semaphore_mem>>)
      %mul3A_65 = arith.constant 4 : i32
      %mul3A_66 = arith.muli %scan3A_38, %mul3A_65 : i32
      %add3A_67 = arith.constant 1 : i32
      %add3A_68 = arith.addi %mul3A_66, %add3A_67 : i32
      %ge3A_69 = arith.constant 1 : i32
      %ge3A_70 = arith.cmpi sge, %scan3A_38, %ge3A_69 : i32
      %convert_element_type3A_71 = arith.extui %ge3A_70 : i1 to i32
      %cond3A_72 = arith.constant 0 : i32
      %cond3A_73 = arith.cmpi ne, %convert_element_type3A_71, %cond3A_72 : i32
      scf.if %cond3A_73 {
        %dma_wait3A_155 = arith.constant 0 : i32
        %dma_wait3A_156 = tpu.memref_slice %arg2[%dma_wait3A_155, %mul3A_2] : memref<256x102400xf32, #tpu.memory_space<hbm>> -> memref<4x3200xf32, #tpu.memory_space<hbm>>
        %dma_wait3A_157 = arith.constant 0 : i32
        %dma_wait3A_158 = tpu.memref_slice %arg2[%dma_wait3A_157, %mul3A_2] : memref<256x102400xf32, #tpu.memory_space<hbm>> -> memref<4x3200xf32, #tpu.memory_space<hbm>>
        tpu.wait_dma2 semaphore(%arg19 : memref<!tpu.dma_semaphore, #tpu.memory_space<semaphore_mem>>) src(%dma_wait3A_158 : memref<4x3200xf32, #tpu.memory_space<hbm>>) dst(%arg10 : memref<4x3200xf32, #tpu.memory_space<vmem>>)
      } else {
      }
      %dma_wait3A_74 = arith.constant 0 : i32
      %dma_wait3A_75 = tpu.memref_slice %arg2[%dma_wait3A_74, %mul3A_2] : memref<256x102400xf32, #tpu.memory_space<hbm>> -> memref<4x3200xf32, #tpu.memory_space<hbm>>
      %dma_wait3A_76 = arith.constant 0 : i32
      %dma_wait3A_77 = tpu.memref_slice %arg2[%dma_wait3A_76, %mul3A_2] : memref<256x102400xf32, #tpu.memory_space<hbm>> -> memref<4x3200xf32, #tpu.memory_space<hbm>>
      tpu.wait_dma2 semaphore(%arg15 : memref<!tpu.dma_semaphore, #tpu.memory_space<semaphore_mem>>) src(%dma_wait3A_77 : memref<4x3200xf32, #tpu.memory_space<hbm>>) dst(%arg6 : memref<4x3200xf32, #tpu.memory_space<vmem>>)
      %scan3A_78 = arith.constant 0 : i32
      %scan3A_79 = arith.constant 0 : i32
      %scan3A_80 = arith.constant 200 : i32
      %scan3A_81 = arith.addi %scan3A_79, %scan3A_80 : i32
      %scan3A_82 = arith.constant 1 : i32
      scf.for %scan3A_155 = %scan3A_79 to %scan3A_81 step %scan3A_82  : i32 {
        %mul3A_156 = arith.constant 16 : i32
        %mul3A_157 = arith.muli %scan3A_155, %mul3A_156 : i32
        %multiple_of3A = tpu.assume_multiple %mul3A_157, 16 : i32
        %get3A = arith.index_cast %multiple_of3A : i32 to index
        %get3A_158 = tpu.vector_load %arg13[%get3A] {strides = array<i32>} : memref<3200xf32, #tpu.memory_space<vmem>>, vector<16xf32>,
        %get3A_159 = vector.shape_cast %get3A_158 : vector<16xf32> to vector<16xf32>
        %get3A_160 = arith.constant 0 : i32
        %get3A_161 = arith.index_cast %get3A_160 : i32 to index
        %get3A_162 = arith.index_cast %multiple_of3A : i32 to index
        %get3A_163 = tpu.vector_load %arg6[%get3A_161, %get3A_162] {strides = array<i32>} : memref<4x3200xf32, #tpu.memory_space<vmem>>, vector<1x16xf32>,
        %get3A_164 = vector.shape_cast %get3A_163 : vector<1x16xf32> to vector<16xf32>
        %mul3A_165 = arith.mulf %get3A_164, %get3A_159 : vector<16xf32>
        %swap3A = arith.constant 0 : i32
        %swap3A_166 = arith.index_cast %swap3A : i32 to index
        %swap3A_167 = arith.index_cast %multiple_of3A : i32 to index
        %swap3A_168 = tpu.vector_load %arg10[%swap3A_166, %swap3A_167] {strides = array<i32>} : memref<4x3200xf32, #tpu.memory_space<vmem>>, vector<1x16xf32>,
        %swap3A_169 = vector.shape_cast %swap3A_168 : vector<1x16xf32> to vector<16xf32>
        %swap3A_170 = vector.shape_cast %mul3A_165 : vector<16xf32> to vector<1x16xf32>
        tpu.vector_store %arg10[%swap3A_166, %swap3A_167], %swap3A_170 {strides = array<i32>} : memref<4x3200xf32, #tpu.memory_space<vmem>>, vector<1x16xf32>,
        %get3A_171 = arith.constant 1 : i32
        %get3A_172 = arith.index_cast %get3A_171 : i32 to index
        %get3A_173 = arith.index_cast %multiple_of3A : i32 to index
        %get3A_174 = tpu.vector_load %arg6[%get3A_172, %get3A_173] {strides = array<i32>} : memref<4x3200xf32, #tpu.memory_space<vmem>>, vector<1x16xf32>,
        %get3A_175 = vector.shape_cast %get3A_174 : vector<1x16xf32> to vector<16xf32>
        %mul3A_176 = arith.mulf %get3A_175, %get3A_159 : vector<16xf32>
        %swap3A_177 = arith.constant 1 : i32
        %swap3A_178 = arith.index_cast %swap3A_177 : i32 to index
        %swap3A_179 = arith.index_cast %multiple_of3A : i32 to index
        %swap3A_180 = tpu.vector_load %arg10[%swap3A_178, %swap3A_179] {strides = array<i32>} : memref<4x3200xf32, #tpu.memory_space<vmem>>, vector<1x16xf32>,
        %swap3A_181 = vector.shape_cast %swap3A_180 : vector<1x16xf32> to vector<16xf32>
        %swap3A_182 = vector.shape_cast %mul3A_176 : vector<16xf32> to vector<1x16xf32>
        tpu.vector_store %arg10[%swap3A_178, %swap3A_179], %swap3A_182 {strides = array<i32>} : memref<4x3200xf32, #tpu.memory_space<vmem>>, vector<1x16xf32>,
        %get3A_183 = arith.constant 2 : i32
        %get3A_184 = arith.index_cast %get3A_183 : i32 to index
        %get3A_185 = arith.index_cast %multiple_of3A : i32 to index
        %get3A_186 = tpu.vector_load %arg6[%get3A_184, %get3A_185] {strides = array<i32>} : memref<4x3200xf32, #tpu.memory_space<vmem>>, vector<1x16xf32>,
        %get3A_187 = vector.shape_cast %get3A_186 : vector<1x16xf32> to vector<16xf32>
        %mul3A_188 = arith.mulf %get3A_187, %get3A_159 : vector<16xf32>
        %swap3A_189 = arith.constant 2 : i32
        %swap3A_190 = arith.index_cast %swap3A_189 : i32 to index
        %swap3A_191 = arith.index_cast %multiple_of3A : i32 to index
        %swap3A_192 = tpu.vector_load %arg10[%swap3A_190, %swap3A_191] {strides = array<i32>} : memref<4x3200xf32, #tpu.memory_space<vmem>>, vector<1x16xf32>,
        %swap3A_193 = vector.shape_cast %swap3A_192 : vector<1x16xf32> to vector<16xf32>
        %swap3A_194 = vector.shape_cast %mul3A_188 : vector<16xf32> to vector<1x16xf32>
        tpu.vector_store %arg10[%swap3A_190, %swap3A_191], %swap3A_194 {strides = array<i32>} : memref<4x3200xf32, #tpu.memory_space<vmem>>, vector<1x16xf32>,
        %get3A_195 = arith.constant 3 : i32
        %get3A_196 = arith.index_cast %get3A_195 : i32 to index
        %get3A_197 = arith.index_cast %multiple_of3A : i32 to index
        %get3A_198 = tpu.vector_load %arg6[%get3A_196, %get3A_197] {strides = array<i32>} : memref<4x3200xf32, #tpu.memory_space<vmem>>, vector<1x16xf32>,
        %get3A_199 = vector.shape_cast %get3A_198 : vector<1x16xf32> to vector<16xf32>
        %mul3A_200 = arith.mulf %get3A_199, %get3A_159 : vector<16xf32>
        %swap3A_201 = arith.constant 3 : i32
        %swap3A_202 = arith.index_cast %swap3A_201 : i32 to index
        %swap3A_203 = arith.index_cast %multiple_of3A : i32 to index
        %swap3A_204 = tpu.vector_load %arg10[%swap3A_202, %swap3A_203] {strides = array<i32>} : memref<4x3200xf32, #tpu.memory_space<vmem>>, vector<1x16xf32>,
        %swap3A_205 = vector.shape_cast %swap3A_204 : vector<1x16xf32> to vector<16xf32>
        %swap3A_206 = vector.shape_cast %mul3A_200 : vector<16xf32> to vector<1x16xf32>
        tpu.vector_store %arg10[%swap3A_202, %swap3A_203], %swap3A_206 {strides = array<i32>} : memref<4x3200xf32, #tpu.memory_space<vmem>>, vector<1x16xf32>,
      }
      %scan3A_83 = arith.constant 200 : i32
      %add3A_84 = arith.constant 4 : i32
      %add3A_85 = arith.addi %add3A_68, %add3A_84 : i32
      %lt3A_86 = arith.constant 64 : i32
      %lt3A_87 = arith.cmpi slt, %add3A_85, %lt3A_86 : i32
      %convert_element_type3A_88 = arith.extui %lt3A_87 : i1 to i32
      %cond3A_89 = arith.constant 0 : i32
      %cond3A_90 = arith.cmpi ne, %convert_element_type3A_88, %cond3A_89 : i32
      scf.if %cond3A_90 {
        %add3A_155 = arith.constant 4 : i32
        %add3A_156 = arith.addi %add3A_68, %add3A_155 : i32
        %mul3A_157 = arith.constant 4 : i32
        %mul3A_158 = arith.muli %add3A_156, %mul3A_157 : i32
        %dma_start3A_159 = tpu.memref_slice %arg2[%mul3A_158, %mul3A_2] : memref<256x102400xf32, #tpu.memory_space<hbm>> -> memref<4x3200xf32, #tpu.memory_space<hbm>>
        %dma_start3A_160 = tpu.memref_slice %arg2[%mul3A_158, %mul3A_2] : memref<256x102400xf32, #tpu.memory_space<hbm>> -> memref<4x3200xf32, #tpu.memory_space<hbm>>
        tpu.enqueue_dma source(%dma_start3A_160 : memref<4x3200xf32, #tpu.memory_space<hbm>>) target(%arg6 : memref<4x3200xf32, #tpu.memory_space<vmem>>) target_semaphore(%arg15 : memref<!tpu.dma_semaphore, #tpu.memory_space<semaphore_mem>>)
      } else {
      }
      %mul3A_91 = arith.constant 4 : i32
      %mul3A_92 = arith.muli %add3A_68, %mul3A_91 : i32
      %dma_start3A_93 = tpu.memref_slice %arg4[%mul3A_92, %mul3A_2] : memref<256x102400xf32, #tpu.memory_space<hbm>> -> memref<4x3200xf32, #tpu.memory_space<hbm>>
      %dma_start3A_94 = tpu.memref_slice %arg4[%mul3A_92, %mul3A_2] : memref<256x102400xf32, #tpu.memory_space<hbm>> -> memref<4x3200xf32, #tpu.memory_space<hbm>>
      tpu.enqueue_dma source(%arg10 : memref<4x3200xf32, #tpu.memory_space<vmem>>) target(%dma_start3A_94 : memref<4x3200xf32, #tpu.memory_space<hbm>>) target_semaphore(%arg19 : memref<!tpu.dma_semaphore, #tpu.memory_space<semaphore_mem>>)
      %mul3A_95 = arith.constant 4 : i32
      %mul3A_96 = arith.muli %scan3A_38, %mul3A_95 : i32
      %add3A_97 = arith.constant 2 : i32
      %add3A_98 = arith.addi %mul3A_96, %add3A_97 : i32
      %ge3A_99 = arith.constant 1 : i32
      %ge3A_100 = arith.cmpi sge, %scan3A_38, %ge3A_99 : i32
      %convert_element_type3A_101 = arith.extui %ge3A_100 : i1 to i32
      %cond3A_102 = arith.constant 0 : i32
      %cond3A_103 = arith.cmpi ne, %convert_element_type3A_101, %cond3A_102 : i32
      scf.if %cond3A_103 {
        %dma_wait3A_155 = arith.constant 0 : i32
        %dma_wait3A_156 = tpu.memref_slice %arg2[%dma_wait3A_155, %mul3A_2] : memref<256x102400xf32, #tpu.memory_space<hbm>> -> memref<4x3200xf32, #tpu.memory_space<hbm>>
        %dma_wait3A_157 = arith.constant 0 : i32
        %dma_wait3A_158 = tpu.memref_slice %arg2[%dma_wait3A_157, %mul3A_2] : memref<256x102400xf32, #tpu.memory_space<hbm>> -> memref<4x3200xf32, #tpu.memory_space<hbm>>
        tpu.wait_dma2 semaphore(%arg20 : memref<!tpu.dma_semaphore, #tpu.memory_space<semaphore_mem>>) src(%dma_wait3A_158 : memref<4x3200xf32, #tpu.memory_space<hbm>>) dst(%arg11 : memref<4x3200xf32, #tpu.memory_space<vmem>>)
      } else {
      }
      %dma_wait3A_104 = arith.constant 0 : i32
      %dma_wait3A_105 = tpu.memref_slice %arg2[%dma_wait3A_104, %mul3A_2] : memref<256x102400xf32, #tpu.memory_space<hbm>> -> memref<4x3200xf32, #tpu.memory_space<hbm>>
      %dma_wait3A_106 = arith.constant 0 : i32
      %dma_wait3A_107 = tpu.memref_slice %arg2[%dma_wait3A_106, %mul3A_2] : memref<256x102400xf32, #tpu.memory_space<hbm>> -> memref<4x3200xf32, #tpu.memory_space<hbm>>
      tpu.wait_dma2 semaphore(%arg16 : memref<!tpu.dma_semaphore, #tpu.memory_space<semaphore_mem>>) src(%dma_wait3A_107 : memref<4x3200xf32, #tpu.memory_space<hbm>>) dst(%arg7 : memref<4x3200xf32, #tpu.memory_space<vmem>>)
      %scan3A_108 = arith.constant 0 : i32
      %scan3A_109 = arith.constant 0 : i32
      %scan3A_110 = arith.constant 200 : i32
      %scan3A_111 = arith.addi %scan3A_109, %scan3A_110 : i32
      %scan3A_112 = arith.constant 1 : i32
      scf.for %scan3A_155 = %scan3A_109 to %scan3A_111 step %scan3A_112  : i32 {
        %mul3A_156 = arith.constant 16 : i32
        %mul3A_157 = arith.muli %scan3A_155, %mul3A_156 : i32
        %multiple_of3A = tpu.assume_multiple %mul3A_157, 16 : i32
        %get3A = arith.index_cast %multiple_of3A : i32 to index
        %get3A_158 = tpu.vector_load %arg13[%get3A] {strides = array<i32>} : memref<3200xf32, #tpu.memory_space<vmem>>, vector<16xf32>,
        %get3A_159 = vector.shape_cast %get3A_158 : vector<16xf32> to vector<16xf32>
        %get3A_160 = arith.constant 0 : i32
        %get3A_161 = arith.index_cast %get3A_160 : i32 to index
        %get3A_162 = arith.index_cast %multiple_of3A : i32 to index
        %get3A_163 = tpu.vector_load %arg7[%get3A_161, %get3A_162] {strides = array<i32>} : memref<4x3200xf32, #tpu.memory_space<vmem>>, vector<1x16xf32>,
        %get3A_164 = vector.shape_cast %get3A_163 : vector<1x16xf32> to vector<16xf32>
        %mul3A_165 = arith.mulf %get3A_164, %get3A_159 : vector<16xf32>
        %swap3A = arith.constant 0 : i32
        %swap3A_166 = arith.index_cast %swap3A : i32 to index
        %swap3A_167 = arith.index_cast %multiple_of3A : i32 to index
        %swap3A_168 = tpu.vector_load %arg11[%swap3A_166, %swap3A_167] {strides = array<i32>} : memref<4x3200xf32, #tpu.memory_space<vmem>>, vector<1x16xf32>,
        %swap3A_169 = vector.shape_cast %swap3A_168 : vector<1x16xf32> to vector<16xf32>
        %swap3A_170 = vector.shape_cast %mul3A_165 : vector<16xf32> to vector<1x16xf32>
        tpu.vector_store %arg11[%swap3A_166, %swap3A_167], %swap3A_170 {strides = array<i32>} : memref<4x3200xf32, #tpu.memory_space<vmem>>, vector<1x16xf32>,
        %get3A_171 = arith.constant 1 : i32
        %get3A_172 = arith.index_cast %get3A_171 : i32 to index
        %get3A_173 = arith.index_cast %multiple_of3A : i32 to index
        %get3A_174 = tpu.vector_load %arg7[%get3A_172, %get3A_173] {strides = array<i32>} : memref<4x3200xf32, #tpu.memory_space<vmem>>, vector<1x16xf32>,
        %get3A_175 = vector.shape_cast %get3A_174 : vector<1x16xf32> to vector<16xf32>
        %mul3A_176 = arith.mulf %get3A_175, %get3A_159 : vector<16xf32>
        %swap3A_177 = arith.constant 1 : i32
        %swap3A_178 = arith.index_cast %swap3A_177 : i32 to index
        %swap3A_179 = arith.index_cast %multiple_of3A : i32 to index
        %swap3A_180 = tpu.vector_load %arg11[%swap3A_178, %swap3A_179] {strides = array<i32>} : memref<4x3200xf32, #tpu.memory_space<vmem>>, vector<1x16xf32>,
        %swap3A_181 = vector.shape_cast %swap3A_180 : vector<1x16xf32> to vector<16xf32>
        %swap3A_182 = vector.shape_cast %mul3A_176 : vector<16xf32> to vector<1x16xf32>
        tpu.vector_store %arg11[%swap3A_178, %swap3A_179], %swap3A_182 {strides = array<i32>} : memref<4x3200xf32, #tpu.memory_space<vmem>>, vector<1x16xf32>,
        %get3A_183 = arith.constant 2 : i32
        %get3A_184 = arith.index_cast %get3A_183 : i32 to index
        %get3A_185 = arith.index_cast %multiple_of3A : i32 to index
        %get3A_186 = tpu.vector_load %arg7[%get3A_184, %get3A_185] {strides = array<i32>} : memref<4x3200xf32, #tpu.memory_space<vmem>>, vector<1x16xf32>,
        %get3A_187 = vector.shape_cast %get3A_186 : vector<1x16xf32> to vector<16xf32>
        %mul3A_188 = arith.mulf %get3A_187, %get3A_159 : vector<16xf32>
        %swap3A_189 = arith.constant 2 : i32
        %swap3A_190 = arith.index_cast %swap3A_189 : i32 to index
        %swap3A_191 = arith.index_cast %multiple_of3A : i32 to index
        %swap3A_192 = tpu.vector_load %arg11[%swap3A_190, %swap3A_191] {strides = array<i32>} : memref<4x3200xf32, #tpu.memory_space<vmem>>, vector<1x16xf32>,
        %swap3A_193 = vector.shape_cast %swap3A_192 : vector<1x16xf32> to vector<16xf32>
        %swap3A_194 = vector.shape_cast %mul3A_188 : vector<16xf32> to vector<1x16xf32>
        tpu.vector_store %arg11[%swap3A_190, %swap3A_191], %swap3A_194 {strides = array<i32>} : memref<4x3200xf32, #tpu.memory_space<vmem>>, vector<1x16xf32>,
        %get3A_195 = arith.constant 3 : i32
        %get3A_196 = arith.index_cast %get3A_195 : i32 to index
        %get3A_197 = arith.index_cast %multiple_of3A : i32 to index
        %get3A_198 = tpu.vector_load %arg7[%get3A_196, %get3A_197] {strides = array<i32>} : memref<4x3200xf32, #tpu.memory_space<vmem>>, vector<1x16xf32>,
        %get3A_199 = vector.shape_cast %get3A_198 : vector<1x16xf32> to vector<16xf32>
        %mul3A_200 = arith.mulf %get3A_199, %get3A_159 : vector<16xf32>
        %swap3A_201 = arith.constant 3 : i32
        %swap3A_202 = arith.index_cast %swap3A_201 : i32 to index
        %swap3A_203 = arith.index_cast %multiple_of3A : i32 to index
        %swap3A_204 = tpu.vector_load %arg11[%swap3A_202, %swap3A_203] {strides = array<i32>} : memref<4x3200xf32, #tpu.memory_space<vmem>>, vector<1x16xf32>,
        %swap3A_205 = vector.shape_cast %swap3A_204 : vector<1x16xf32> to vector<16xf32>
        %swap3A_206 = vector.shape_cast %mul3A_200 : vector<16xf32> to vector<1x16xf32>
        tpu.vector_store %arg11[%swap3A_202, %swap3A_203], %swap3A_206 {strides = array<i32>} : memref<4x3200xf32, #tpu.memory_space<vmem>>, vector<1x16xf32>,
      }
      %scan3A_113 = arith.constant 200 : i32
      %add3A_114 = arith.constant 4 : i32
      %add3A_115 = arith.addi %add3A_98, %add3A_114 : i32
      %lt3A_116 = arith.constant 64 : i32
      %lt3A_117 = arith.cmpi slt, %add3A_115, %lt3A_116 : i32
      %convert_element_type3A_118 = arith.extui %lt3A_117 : i1 to i32
      %cond3A_119 = arith.constant 0 : i32
      %cond3A_120 = arith.cmpi ne, %convert_element_type3A_118, %cond3A_119 : i32
      scf.if %cond3A_120 {
        %add3A_155 = arith.constant 4 : i32
        %add3A_156 = arith.addi %add3A_98, %add3A_155 : i32
        %mul3A_157 = arith.constant 4 : i32
        %mul3A_158 = arith.muli %add3A_156, %mul3A_157 : i32
        %dma_start3A_159 = tpu.memref_slice %arg2[%mul3A_158, %mul3A_2] : memref<256x102400xf32, #tpu.memory_space<hbm>> -> memref<4x3200xf32, #tpu.memory_space<hbm>>
        %dma_start3A_160 = tpu.memref_slice %arg2[%mul3A_158, %mul3A_2] : memref<256x102400xf32, #tpu.memory_space<hbm>> -> memref<4x3200xf32, #tpu.memory_space<hbm>>
        tpu.enqueue_dma source(%dma_start3A_160 : memref<4x3200xf32, #tpu.memory_space<hbm>>) target(%arg7 : memref<4x3200xf32, #tpu.memory_space<vmem>>) target_semaphore(%arg16 : memref<!tpu.dma_semaphore, #tpu.memory_space<semaphore_mem>>)
      } else {
      }
      %mul3A_121 = arith.constant 4 : i32
      %mul3A_122 = arith.muli %add3A_98, %mul3A_121 : i32
      %dma_start3A_123 = tpu.memref_slice %arg4[%mul3A_122, %mul3A_2] : memref<256x102400xf32, #tpu.memory_space<hbm>> -> memref<4x3200xf32, #tpu.memory_space<hbm>>
      %dma_start3A_124 = tpu.memref_slice %arg4[%mul3A_122, %mul3A_2] : memref<256x102400xf32, #tpu.memory_space<hbm>> -> memref<4x3200xf32, #tpu.memory_space<hbm>>
      tpu.enqueue_dma source(%arg11 : memref<4x3200xf32, #tpu.memory_space<vmem>>) target(%dma_start3A_124 : memref<4x3200xf32, #tpu.memory_space<hbm>>) target_semaphore(%arg20 : memref<!tpu.dma_semaphore, #tpu.memory_space<semaphore_mem>>)
      %mul3A_125 = arith.constant 4 : i32
      %mul3A_126 = arith.muli %scan3A_38, %mul3A_125 : i32
      %add3A_127 = arith.constant 3 : i32
      %add3A_128 = arith.addi %mul3A_126, %add3A_127 : i32
      %ge3A_129 = arith.constant 1 : i32
      %ge3A_130 = arith.cmpi sge, %scan3A_38, %ge3A_129 : i32
      %convert_element_type3A_131 = arith.extui %ge3A_130 : i1 to i32
      %cond3A_132 = arith.constant 0 : i32
      %cond3A_133 = arith.cmpi ne, %convert_element_type3A_131, %cond3A_132 : i32
      scf.if %cond3A_133 {
        %dma_wait3A_155 = arith.constant 0 : i32
        %dma_wait3A_156 = tpu.memref_slice %arg2[%dma_wait3A_155, %mul3A_2] : memref<256x102400xf32, #tpu.memory_space<hbm>> -> memref<4x3200xf32, #tpu.memory_space<hbm>>
        %dma_wait3A_157 = arith.constant 0 : i32
        %dma_wait3A_158 = tpu.memref_slice %arg2[%dma_wait3A_157, %mul3A_2] : memref<256x102400xf32, #tpu.memory_space<hbm>> -> memref<4x3200xf32, #tpu.memory_space<hbm>>
        tpu.wait_dma2 semaphore(%arg21 : memref<!tpu.dma_semaphore, #tpu.memory_space<semaphore_mem>>) src(%dma_wait3A_158 : memref<4x3200xf32, #tpu.memory_space<hbm>>) dst(%arg12 : memref<4x3200xf32, #tpu.memory_space<vmem>>)
      } else {
      }
      %dma_wait3A_134 = arith.constant 0 : i32
      %dma_wait3A_135 = tpu.memref_slice %arg2[%dma_wait3A_134, %mul3A_2] : memref<256x102400xf32, #tpu.memory_space<hbm>> -> memref<4x3200xf32, #tpu.memory_space<hbm>>
      %dma_wait3A_136 = arith.constant 0 : i32
      %dma_wait3A_137 = tpu.memref_slice %arg2[%dma_wait3A_136, %mul3A_2] : memref<256x102400xf32, #tpu.memory_space<hbm>> -> memref<4x3200xf32, #tpu.memory_space<hbm>>
      tpu.wait_dma2 semaphore(%arg17 : memref<!tpu.dma_semaphore, #tpu.memory_space<semaphore_mem>>) src(%dma_wait3A_137 : memref<4x3200xf32, #tpu.memory_space<hbm>>) dst(%arg8 : memref<4x3200xf32, #tpu.memory_space<vmem>>)
      %scan3A_138 = arith.constant 0 : i32
      %scan3A_139 = arith.constant 0 : i32
      %scan3A_140 = arith.constant 200 : i32
      %scan3A_141 = arith.addi %scan3A_139, %scan3A_140 : i32
      %scan3A_142 = arith.constant 1 : i32
      scf.for %scan3A_155 = %scan3A_139 to %scan3A_141 step %scan3A_142  : i32 {
        %mul3A_156 = arith.constant 16 : i32
        %mul3A_157 = arith.muli %scan3A_155, %mul3A_156 : i32
        %multiple_of3A = tpu.assume_multiple %mul3A_157, 16 : i32
        %get3A = arith.index_cast %multiple_of3A : i32 to index
        %get3A_158 = tpu.vector_load %arg13[%get3A] {strides = array<i32>} : memref<3200xf32, #tpu.memory_space<vmem>>, vector<16xf32>,
        %get3A_159 = vector.shape_cast %get3A_158 : vector<16xf32> to vector<16xf32>
        %get3A_160 = arith.constant 0 : i32
        %get3A_161 = arith.index_cast %get3A_160 : i32 to index
        %get3A_162 = arith.index_cast %multiple_of3A : i32 to index
        %get3A_163 = tpu.vector_load %arg8[%get3A_161, %get3A_162] {strides = array<i32>} : memref<4x3200xf32, #tpu.memory_space<vmem>>, vector<1x16xf32>,
        %get3A_164 = vector.shape_cast %get3A_163 : vector<1x16xf32> to vector<16xf32>
        %mul3A_165 = arith.mulf %get3A_164, %get3A_159 : vector<16xf32>
        %swap3A = arith.constant 0 : i32
        %swap3A_166 = arith.index_cast %swap3A : i32 to index
        %swap3A_167 = arith.index_cast %multiple_of3A : i32 to index
        %swap3A_168 = tpu.vector_load %arg12[%swap3A_166, %swap3A_167] {strides = array<i32>} : memref<4x3200xf32, #tpu.memory_space<vmem>>, vector<1x16xf32>,
        %swap3A_169 = vector.shape_cast %swap3A_168 : vector<1x16xf32> to vector<16xf32>
        %swap3A_170 = vector.shape_cast %mul3A_165 : vector<16xf32> to vector<1x16xf32>
        tpu.vector_store %arg12[%swap3A_166, %swap3A_167], %swap3A_170 {strides = array<i32>} : memref<4x3200xf32, #tpu.memory_space<vmem>>, vector<1x16xf32>,
        %get3A_171 = arith.constant 1 : i32
        %get3A_172 = arith.index_cast %get3A_171 : i32 to index
        %get3A_173 = arith.index_cast %multiple_of3A : i32 to index
        %get3A_174 = tpu.vector_load %arg8[%get3A_172, %get3A_173] {strides = array<i32>} : memref<4x3200xf32, #tpu.memory_space<vmem>>, vector<1x16xf32>,
        %get3A_175 = vector.shape_cast %get3A_174 : vector<1x16xf32> to vector<16xf32>
        %mul3A_176 = arith.mulf %get3A_175, %get3A_159 : vector<16xf32>
        %swap3A_177 = arith.constant 1 : i32
        %swap3A_178 = arith.index_cast %swap3A_177 : i32 to index
        %swap3A_179 = arith.index_cast %multiple_of3A : i32 to index
        %swap3A_180 = tpu.vector_load %arg12[%swap3A_178, %swap3A_179] {strides = array<i32>} : memref<4x3200xf32, #tpu.memory_space<vmem>>, vector<1x16xf32>,
        %swap3A_181 = vector.shape_cast %swap3A_180 : vector<1x16xf32> to vector<16xf32>
        %swap3A_182 = vector.shape_cast %mul3A_176 : vector<16xf32> to vector<1x16xf32>
        tpu.vector_store %arg12[%swap3A_178, %swap3A_179], %swap3A_182 {strides = array<i32>} : memref<4x3200xf32, #tpu.memory_space<vmem>>, vector<1x16xf32>,
        %get3A_183 = arith.constant 2 : i32
        %get3A_184 = arith.index_cast %get3A_183 : i32 to index
        %get3A_185 = arith.index_cast %multiple_of3A : i32 to index
        %get3A_186 = tpu.vector_load %arg8[%get3A_184, %get3A_185] {strides = array<i32>} : memref<4x3200xf32, #tpu.memory_space<vmem>>, vector<1x16xf32>,
        %get3A_187 = vector.shape_cast %get3A_186 : vector<1x16xf32> to vector<16xf32>
        %mul3A_188 = arith.mulf %get3A_187, %get3A_159 : vector<16xf32>
        %swap3A_189 = arith.constant 2 : i32
        %swap3A_190 = arith.index_cast %swap3A_189 : i32 to index
        %swap3A_191 = arith.index_cast %multiple_of3A : i32 to index
        %swap3A_192 = tpu.vector_load %arg12[%swap3A_190, %swap3A_191] {strides = array<i32>} : memref<4x3200xf32, #tpu.memory_space<vmem>>, vector<1x16xf32>,
        %swap3A_193 = vector.shape_cast %swap3A_192 : vector<1x16xf32> to vector<16xf32>
        %swap3A_194 = vector.shape_cast %mul3A_188 : vector<16xf32> to vector<1x16xf32>
        tpu.vector_store %arg12[%swap3A_190, %swap3A_191], %swap3A_194 {strides = array<i32>} : memref<4x3200xf32, #tpu.memory_space<vmem>>, vector<1x16xf32>,
        %get3A_195 = arith.constant 3 : i32
        %get3A_196 = arith.index_cast %get3A_195 : i32 to index
        %get3A_197 = arith.index_cast %multiple_of3A : i32 to index
        %get3A_198 = tpu.vector_load %arg8[%get3A_196, %get3A_197] {strides = array<i32>} : memref<4x3200xf32, #tpu.memory_space<vmem>>, vector<1x16xf32>,
        %get3A_199 = vector.shape_cast %get3A_198 : vector<1x16xf32> to vector<16xf32>
        %mul3A_200 = arith.mulf %get3A_199, %get3A_159 : vector<16xf32>
        %swap3A_201 = arith.constant 3 : i32
        %swap3A_202 = arith.index_cast %swap3A_201 : i32 to index
        %swap3A_203 = arith.index_cast %multiple_of3A : i32 to index
        %swap3A_204 = tpu.vector_load %arg12[%swap3A_202, %swap3A_203] {strides = array<i32>} : memref<4x3200xf32, #tpu.memory_space<vmem>>, vector<1x16xf32>,
        %swap3A_205 = vector.shape_cast %swap3A_204 : vector<1x16xf32> to vector<16xf32>
        %swap3A_206 = vector.shape_cast %mul3A_200 : vector<16xf32> to vector<1x16xf32>
        tpu.vector_store %arg12[%swap3A_202, %swap3A_203], %swap3A_206 {strides = array<i32>} : memref<4x3200xf32, #tpu.memory_space<vmem>>, vector<1x16xf32>,
      }
      %scan3A_143 = arith.constant 200 : i32
      %add3A_144 = arith.constant 4 : i32
      %add3A_145 = arith.addi %add3A_128, %add3A_144 : i32
      %lt3A_146 = arith.constant 64 : i32
      %lt3A_147 = arith.cmpi slt, %add3A_145, %lt3A_146 : i32
      %convert_element_type3A_148 = arith.extui %lt3A_147 : i1 to i32
      %cond3A_149 = arith.constant 0 : i32
      %cond3A_150 = arith.cmpi ne, %convert_element_type3A_148, %cond3A_149 : i32
      scf.if %cond3A_150 {
        %add3A_155 = arith.constant 4 : i32
        %add3A_156 = arith.addi %add3A_128, %add3A_155 : i32
        %mul3A_157 = arith.constant 4 : i32
        %mul3A_158 = arith.muli %add3A_156, %mul3A_157 : i32
        %dma_start3A_159 = tpu.memref_slice %arg2[%mul3A_158, %mul3A_2] : memref<256x102400xf32, #tpu.memory_space<hbm>> -> memref<4x3200xf32, #tpu.memory_space<hbm>>
        %dma_start3A_160 = tpu.memref_slice %arg2[%mul3A_158, %mul3A_2] : memref<256x102400xf32, #tpu.memory_space<hbm>> -> memref<4x3200xf32, #tpu.memory_space<hbm>>
        tpu.enqueue_dma source(%dma_start3A_160 : memref<4x3200xf32, #tpu.memory_space<hbm>>) target(%arg8 : memref<4x3200xf32, #tpu.memory_space<vmem>>) target_semaphore(%arg17 : memref<!tpu.dma_semaphore, #tpu.memory_space<semaphore_mem>>)
      } else {
      }
      %mul3A_151 = arith.constant 4 : i32
      %mul3A_152 = arith.muli %add3A_128, %mul3A_151 : i32
      %dma_start3A_153 = tpu.memref_slice %arg4[%mul3A_152, %mul3A_2] : memref<256x102400xf32, #tpu.memory_space<hbm>> -> memref<4x3200xf32, #tpu.memory_space<hbm>>
      %dma_start3A_154 = tpu.memref_slice %arg4[%mul3A_152, %mul3A_2] : memref<256x102400xf32, #tpu.memory_space<hbm>> -> memref<4x3200xf32, #tpu.memory_space<hbm>>
      tpu.enqueue_dma source(%arg12 : memref<4x3200xf32, #tpu.memory_space<vmem>>) target(%dma_start3A_154 : memref<4x3200xf32, #tpu.memory_space<hbm>>) target_semaphore(%arg21 : memref<!tpu.dma_semaphore, #tpu.memory_space<semaphore_mem>>)
    }
    %scan3A_22 = arith.constant 16 : i32
    %dma_wait3A = arith.constant 0 : i32
    %dma_wait3A_23 = tpu.memref_slice %arg2[%dma_wait3A, %mul3A_2] : memref<256x102400xf32, #tpu.memory_space<hbm>> -> memref<4x3200xf32, #tpu.memory_space<hbm>>
    %dma_wait3A_24 = arith.constant 0 : i32
    %dma_wait3A_25 = tpu.memref_slice %arg2[%dma_wait3A_24, %mul3A_2] : memref<256x102400xf32, #tpu.memory_space<hbm>> -> memref<4x3200xf32, #tpu.memory_space<hbm>>
    tpu.wait_dma2 semaphore(%arg18 : memref<!tpu.dma_semaphore, #tpu.memory_space<semaphore_mem>>) src(%dma_wait3A_25 : memref<4x3200xf32, #tpu.memory_space<hbm>>) dst(%arg9 : memref<4x3200xf32, #tpu.memory_space<vmem>>)
    %dma_wait3A_26 = arith.constant 0 : i32
    %dma_wait3A_27 = tpu.memref_slice %arg2[%dma_wait3A_26, %mul3A_2] : memref<256x102400xf32, #tpu.memory_space<hbm>> -> memref<4x3200xf32, #tpu.memory_space<hbm>>
    %dma_wait3A_28 = arith.constant 0 : i32
    %dma_wait3A_29 = tpu.memref_slice %arg2[%dma_wait3A_28, %mul3A_2] : memref<256x102400xf32, #tpu.memory_space<hbm>> -> memref<4x3200xf32, #tpu.memory_space<hbm>>
    tpu.wait_dma2 semaphore(%arg19 : memref<!tpu.dma_semaphore, #tpu.memory_space<semaphore_mem>>) src(%dma_wait3A_29 : memref<4x3200xf32, #tpu.memory_space<hbm>>) dst(%arg10 : memref<4x3200xf32, #tpu.memory_space<vmem>>)
    %dma_wait3A_30 = arith.constant 0 : i32
    %dma_wait3A_31 = tpu.memref_slice %arg2[%dma_wait3A_30, %mul3A_2] : memref<256x102400xf32, #tpu.memory_space<hbm>> -> memref<4x3200xf32, #tpu.memory_space<hbm>>
    %dma_wait3A_32 = arith.constant 0 : i32
    %dma_wait3A_33 = tpu.memref_slice %arg2[%dma_wait3A_32, %mul3A_2] : memref<256x102400xf32, #tpu.memory_space<hbm>> -> memref<4x3200xf32, #tpu.memory_space<hbm>>
    tpu.wait_dma2 semaphore(%arg20 : memref<!tpu.dma_semaphore, #tpu.memory_space<semaphore_mem>>) src(%dma_wait3A_33 : memref<4x3200xf32, #tpu.memory_space<hbm>>) dst(%arg11 : memref<4x3200xf32, #tpu.memory_space<vmem>>)
    %dma_wait3A_34 = arith.constant 0 : i32
    %dma_wait3A_35 = tpu.memref_slice %arg2[%dma_wait3A_34, %mul3A_2] : memref<256x102400xf32, #tpu.memory_space<hbm>> -> memref<4x3200xf32, #tpu.memory_space<hbm>>
    %dma_wait3A_36 = arith.constant 0 : i32
    %dma_wait3A_37 = tpu.memref_slice %arg2[%dma_wait3A_36, %mul3A_2] : memref<256x102400xf32, #tpu.memory_space<hbm>> -> memref<4x3200xf32, #tpu.memory_space<hbm>>
    tpu.wait_dma2 semaphore(%arg21 : memref<!tpu.dma_semaphore, #tpu.memory_space<semaphore_mem>>) src(%dma_wait3A_37 : memref<4x3200xf32, #tpu.memory_space<hbm>>) dst(%arg12 : memref<4x3200xf32, #tpu.memory_space<vmem>>)
    return
  }
}

module attributes {stable_mosaic.version = 14 : i64} {
  func.func @_mask_body(%arg0: memref<800x128xf32, #tpu.memory_space<vmem>>, %arg1: memref<800x128xf32, #tpu.memory_space<vmem>>, %arg2: memref<16x800x128xf32, #tpu.memory_space<vmem>>) attributes {dimension_semantics = [], scalar_prefetch = 0 : i64, scratch_operands = 0 : i64, tpu.core_type = #tpu.core_type<tc>} {
    %get3A = arith.constant 0 : index
    %get3A_0 = arith.constant 0 : index
    %get3A_1 = vector.load %arg0[%get3A, %get3A_0] : memref<800x128xf32, #tpu.memory_space<vmem>>, vector<800x128xf32>
    %logistic3A = arith.negf %get3A_1 : vector<800x128xf32>
    %logistic3A_2 = math.exp %logistic3A : vector<800x128xf32>
    %logistic3A_3 = arith.constant 1.000000e+00 : f32
    %logistic3A_4 = vector.broadcast %logistic3A_3 : f32 to vector<800x128xf32>
    %logistic3A_5 = arith.addf %logistic3A_4, %logistic3A_2 : vector<800x128xf32>
    %logistic3A_6 = arith.divf %logistic3A_4, %logistic3A_5 : vector<800x128xf32>
    %reduce_sum3A = vector.shape_cast %logistic3A_6 : vector<800x128xf32> to vector<1x800x128xf32>
    %reduce_sum3A_7 = arith.constant dense<0.000000e+00> : vector<1xf32>
    %reduce_sum3A_8 = vector.multi_reduction <add>, %reduce_sum3A, %reduce_sum3A_7 [1, 2] : vector<1x800x128xf32> to vector<1xf32>
    %reduce_sum3A_9 = vector.shape_cast %reduce_sum3A_8 : vector<1xf32> to vector<1x1x1xf32>
    %reduce_sum3A_10 = vector.extract %reduce_sum3A_9[0, 0, 0] : f32 from vector<1x1x1xf32>
    %div3A = arith.constant 1.024000e+05 : f32
    %div3A_11 = arith.divf %reduce_sum3A_10, %div3A : f32
    %div3A_12 = arith.constant 2.500000e-01 : f32
    %div3A_13 = arith.divf %div3A_12, %div3A_11 : f32
    %sub3A = arith.constant 1.000000e+00 : f32
    %sub3A_14 = arith.subf %sub3A, %div3A_11 : f32
    %div3A_15 = arith.constant 7.500000e-01 : f32
    %div3A_16 = arith.divf %div3A_15, %sub3A_14 : f32
    %le3A = arith.constant 1.000000e+00 : f32
    %le3A_17 = arith.cmpf ole, %div3A_13, %le3A : f32
    %convert_element_type3A = arith.extui %le3A_17 : i1 to i32
    %convert_element_type3A_18 = arith.sitofp %convert_element_type3A : i32 to f32
    %mul3A = vector.broadcast %div3A_13 : f32 to vector<800x128xf32>
    %mul3A_19 = arith.mulf %logistic3A_6, %mul3A : vector<800x128xf32>
    %mul3A_20 = vector.broadcast %convert_element_type3A_18 : f32 to vector<800x128xf32>
    %mul3A_21 = arith.mulf %mul3A_20, %mul3A_19 : vector<800x128xf32>
    %sub3A_22 = arith.constant 1.000000e+00 : f32
    %sub3A_23 = arith.subf %sub3A_22, %convert_element_type3A_18 : f32
    %sub3A_24 = arith.constant 1.000000e+00 : f32
    %sub3A_25 = vector.broadcast %sub3A_24 : f32 to vector<800x128xf32>
    %sub3A_26 = arith.subf %sub3A_25, %logistic3A_6 : vector<800x128xf32>
    %mul3A_27 = vector.broadcast %div3A_16 : f32 to vector<800x128xf32>
    %mul3A_28 = arith.mulf %sub3A_26, %mul3A_27 : vector<800x128xf32>
    %sub3A_29 = arith.constant 1.000000e+00 : f32
    %sub3A_30 = vector.broadcast %sub3A_29 : f32 to vector<800x128xf32>
    %sub3A_31 = arith.subf %sub3A_30, %mul3A_28 : vector<800x128xf32>
    %mul3A_32 = vector.broadcast %sub3A_23 : f32 to vector<800x128xf32>
    %mul3A_33 = arith.mulf %mul3A_32, %sub3A_31 : vector<800x128xf32>
    %add3A = arith.addf %mul3A_21, %mul3A_33 : vector<800x128xf32>
    %bitcast_convert_type3A = tpu.bitcast %add3A : vector<800x128xf32> -> vector<800x128xi32>
    %scan3A = arith.constant 0 : i32
    %scan3A_34 = arith.constant 1065353217 : i32
    %scan3A_35 = arith.constant 0 : i32
    %scan3A_36 = arith.constant 31 : i32
    %scan3A_37 = arith.addi %scan3A_35, %scan3A_36 : i32
    %scan3A_38 = arith.constant 1 : i32
    %scan3A_39:2 = scf.for %scan3A_51 = %scan3A_35 to %scan3A_37 step %scan3A_38 iter_args(%scan3A_52 = %scan3A, %scan3A_53 = %scan3A_34) -> (i32, i32)  : i32 {
      %add3A_54 = arith.addi %scan3A_52, %scan3A_53 : i32
      %jit3A = arith.constant 2 : i32
      %div3A_55 = arith.divsi %add3A_54, %jit3A : i32
      %sign3A = arith.constant 0 : i32
      %sign3A_56 = arith.cmpi sgt, %add3A_54, %sign3A : i32
      %sign3A_57 = arith.extui %sign3A_56 : i1 to i32
      %sign3A_58 = arith.constant 0 : i32
      %sign3A_59 = arith.cmpi slt, %add3A_54, %sign3A_58 : i32
      %sign3A_60 = arith.extui %sign3A_59 : i1 to i32
      %sign3A_61 = arith.subi %sign3A_57, %sign3A_60 : i32
      %sign3A_62 = arith.constant 0 : i32
      %sign3A_63 = arith.cmpi sgt, %jit3A, %sign3A_62 : i32
      %sign3A_64 = arith.extui %sign3A_63 : i1 to i32
      %sign3A_65 = arith.constant 0 : i32
      %sign3A_66 = arith.cmpi slt, %jit3A, %sign3A_65 : i32
      %sign3A_67 = arith.extui %sign3A_66 : i1 to i32
      %sign3A_68 = arith.subi %sign3A_64, %sign3A_67 : i32
      %ne3A = arith.cmpi ne, %sign3A_61, %sign3A_68 : i32
      %rem3A = arith.remsi %add3A_54, %jit3A : i32
      %ne3A_69 = arith.constant 0 : i32
      %ne3A_70 = arith.cmpi ne, %rem3A, %ne3A_69 : i32
      %and3A = arith.andi %ne3A, %ne3A_70 : i1
      %sub3A_71 = arith.constant 1 : i32
      %sub3A_72 = arith.subi %div3A_55, %sub3A_71 : i32
      %select_n3A = arith.select %and3A, %sub3A_72, %div3A_55 : i32
      %ge3A_73 = vector.broadcast %select_n3A : i32 to vector<800x128xi32>
      %ge3A_74 = arith.cmpi sge, %bitcast_convert_type3A, %ge3A_73 : vector<800x128xi32>
      %convert_element_type3A_75 = arith.extui %ge3A_74 : vector<800x128xi1> to vector<800x128xi32>
      %reduce_sum3A_76 = vector.shape_cast %convert_element_type3A_75 : vector<800x128xi32> to vector<1x800x128xi32>
      %reduce_sum3A_77 = arith.constant dense<0> : vector<1xi32>
      %reduce_sum3A_78 = vector.multi_reduction <add>, %reduce_sum3A_76, %reduce_sum3A_77 [1, 2] : vector<1x800x128xi32> to vector<1xi32>
      %reduce_sum3A_79 = vector.shape_cast %reduce_sum3A_78 : vector<1xi32> to vector<1x1x1xi32>
      %reduce_sum3A_80 = vector.extract %reduce_sum3A_79[0, 0, 0] : i32 from vector<1x1x1xi32>
      %ge3A_81 = arith.constant 25600 : i32
      %ge3A_82 = arith.cmpi sge, %reduce_sum3A_80, %ge3A_81 : i32
      %select_n3A_83 = arith.select %ge3A_82, %select_n3A, %scan3A_52 : i32
      %select_n3A_84 = arith.select %ge3A_82, %scan3A_53, %select_n3A : i32
      scf.yield %select_n3A_83, %select_n3A_84 : i32, i32
    }
    %ge3A = vector.broadcast %scan3A_39#0 : i32 to vector<800x128xi32>
    %ge3A_40 = arith.cmpi sge, %bitcast_convert_type3A, %ge3A : vector<800x128xi32>
    %convert_element_type3A_41 = arith.extui %ge3A_40 : vector<800x128xi1> to vector<800x128xi32>
    %convert_element_type3A_42 = arith.sitofp %convert_element_type3A_41 : vector<800x128xi32> to vector<800x128xf32>
    %swap3A = arith.constant 0 : index
    %swap3A_43 = arith.constant 0 : index
    %swap3A_44 = vector.load %arg1[%swap3A, %swap3A_43] : memref<800x128xf32, #tpu.memory_space<vmem>>, vector<800x128xf32>
    tpu.vector_store %arg1[%swap3A, %swap3A_43], %convert_element_type3A_42 {strides = array<i32>} : memref<800x128xf32, #tpu.memory_space<vmem>>, vector<800x128xf32>,
    %broadcast_in_dim3A = vector.shape_cast %convert_element_type3A_42 : vector<800x128xf32> to vector<1x800x128xf32>
    %broadcast_in_dim3A_45 = vector.shape_cast %broadcast_in_dim3A : vector<1x800x128xf32> to vector<1x800x128xf32>
    %broadcast_in_dim3A_46 = vector.broadcast %broadcast_in_dim3A_45 : vector<1x800x128xf32> to vector<16x800x128xf32>
    %swap3A_47 = arith.constant 0 : index
    %swap3A_48 = arith.constant 0 : index
    %swap3A_49 = arith.constant 0 : index
    %swap3A_50 = vector.load %arg2[%swap3A_47, %swap3A_48, %swap3A_49] : memref<16x800x128xf32, #tpu.memory_space<vmem>>, vector<16x800x128xf32>
    tpu.vector_store %arg2[%swap3A_47, %swap3A_48, %swap3A_49], %broadcast_in_dim3A_46 {strides = array<i32>} : memref<16x800x128xf32, #tpu.memory_space<vmem>>, vector<16x800x128xf32>,
    return
  }
}

</mosaic_0001>

<sc_bundles>
// kernel: kernel.4.cloned.1.call-start
scs
__scs_entry_jumppad:
0x0: {  	(pc) =	sbr.rel $0x88, $3  }
0x1: {  	(tag) =	ssettag $0x0;
	lr =	simm.s32 $0x1  }
0x2: {  	[smem:$0x3F9F] =	sst lr;
	_ =	strace $0xD0000000  }
0x3: {  	_ = 	snop  }
0x4: {  	_ = 	snop  }
0x5: {  	_ = 	snop  }
0x6: {  	_ = 	snop  }
0x7: {  	_ = 	snop  }
__scs_overlays_trampoline_lowered:
0x8: {  	[smem:$0x3FAE] =	sst s0  }
0x9: {  	[smem:$0x3FAF] =	sst s1  }
0xa: {  	[smem:$0x3FB0] =	sst s2  }
0xb: {  	[smem:$0x3FB1] =	sst s3  }
0xc: {  	[smem:$0x3FB2] =	sst s4  }
0xd: {  	[smem:$0x3FB3] =	sst s5  }
0xe: {  	[smem:$0x3FB4] =	sst s6  }
0xf: {  	[smem:$0x3FB5] =	sst s7  }
0x10: {  	[smem:$0x3FB6] =	sst s8  }
0x11: {  	[smem:$0x3FB7] =	sst s9;
	s0 =	simm.s32 @!p0 $0x0  }
0x12: {  	s1 =	sld [smem:$0x3F9D];
	s0 =	simm.s32 @p0 $0x1  }
0x13: {  	[smem:$0x3FB8] =	sst s0;
	s0 =	simm.s32 @!p1 $0x0  }
0x14: {  	s2 =	sld [smem:$0x3F9C];
	s0 =	simm.s32 @p1 $0x1  }
0x15: {  	[smem:$0x3FB9] =	sst s0;
	s0 =	simm.s32 @!p2 $0x0  }
0x16: {  	s3 =	sld [smem:$0x3FDB];
	s0 =	simm.s32 @p2 $0x1  }
0x17: {  	s4 =	simm.s32 $0x1BF5;
	[smem:$0x3FBB] =	sst s0  }
0x18: {  	s0 =	sld [smem:$0x3F9E];
	_ =	swait.ge [sflag:s4], $0x0  }
0x19: {  	s7 =	sld [smem:$0x3F9F]  }
0x1a: {  	s8 =	sadd.s32 $0xFFFFE003, lr  }
0x1b: {  	s9 =	sadd.s32 $0xFFFFFEF7, lr;
	s5 =	simm.s32 $0xFFFFFFFF;
	p2 =	slt.u32 s8, $0xFFFFF086  }
0x1c: {  	p1 =	slt.u32 s9, $0xF7A;
	s5 =	simm.s32 @!p2 $0x0  }
0x1d: {  	s5 =	simm.s32 @p1 $0x1;
	p0 =	seq.s32 s7, s2  }
0x1e: {  	s7 =	smul.u32 @!p0 $0xF7A, s2;
	p2 =	seq.s32 @!p0 s5, $0x0  }
0x1f: {  	s9 =	smul.u32 $0xF7A, s1;
	s8 =	simm.s32 @!p0 $0x1BF5;
	p2 =	por !p2, p0  }
0x20: {  	[sflag:s8] =	ssyncset.s32 @!p0 $0xFFFFF086;
	s6 =	sadd.s32 @!p0 s3, s7;
	s7 =	simm.s32 @!p0 $0x108  }
0x21: {  	s3 =	sadd.s32 s3, s9;
	s6 =	sadd.s32 @!p0 $0x88, s6;
	s7 =	simm.s32 @p2 $0x1082  }
0x22: {  	[simem:s7], [sflag:s8] =	dma.local @!p0 [hbm:s6], $0xF7A  }
0x23: {  	s9 =	sor.u32 $0xD0000000, s2;
	s6 =	simm.s32 $0x108;
	_ =	swait.ge @!p0 [sflag:s8], $0x0  }
0x24: {  	s3 =	sadd.s32 $0x88, s3;
	s6 =	simm.s32 @!p1 $0x1082;
	[sflag:s4] =	ssyncset.s32 $0xFFFFF086  }
0x25: {  	[simem:s6], [sflag:s4] =	dma.local [hbm:s3], $0xF7A  }
0x26: {  	[smem:$0x3F9F] =	sst s1;
	(tag) =	ssettag s2;
	_ =	strace s9  }
0x27: {  	s1 =	sld [smem:$0x3FAF]  }
0x28: {  	s2 =	sld [smem:$0x3FB0]  }
0x29: {  	s4 =	sld [smem:$0x3FB2]  }
0x2a: {  	p0 =	seq.s32 s5, $0x0;
	s5 =	sld [smem:$0x3FB3]  }
0x2b: {  	s6 =	sld [smem:$0x3FB4]  }
0x2c: {  	s7 =	sld [smem:$0x3FB5]  }
0x2d: {  	s3 =	simm.s32 $0x108;
	s8 =	sld [smem:$0x3FB6]  }
0x2e: {  	s3 =	simm.s32 @!p0 $0x1082;
	s9 =	sld [smem:$0x3FB7]  }
0x2f: {  	lr =	sadd.s32 s0, s3;
	s0 =	sld [smem:$0x3FAE]  }
0x30: {  	s3 =	sld [smem:$0x3FB1]  }
0x31: {  	[smem:$0x3FBA] =	sst s10  }
0x32: {  	s10 =	sld [smem:$0x3FB8];
	_ =	sdelay $0x3  }
0x33: {  	p0 =	seq.s32 s10, $0x1;
	s10 =	sld [smem:$0x3FBA];
	_ =	sdelay $0x3  }
0x34: {  	[smem:$0x3FBA] =	sst s10  }
0x35: {  	s10 =	sld [smem:$0x3FB9];
	_ =	sdelay $0x3  }
0x36: {  	p1 =	seq.s32 s10, $0x1;
	s10 =	sld [smem:$0x3FBA];
	_ =	sdelay $0x3  }
0x37: {  	[smem:$0x3FBA] =	sst s10  }
0x38: {  	s10 =	sld [smem:$0x3FBB]  }
0x39: {  	_ = 	snop;
	(pc) =	sbr.ind lr, $3  }
0x3a: {  	_ = 	snop  }
0x3b: {  	_ = 	snop  }
0x3c: {  	p2 =	seq.s32 s10, $0x1;
	s10 =	sld [smem:$0x3FBA]  }
0x3d: {  	_ =	shalt  }
0x3e: {  	_ =	shalt  }
0x3f: {  	_ =	shalt  }
0x40: {  	_ =	shalt  }
0x41: {  	_ =	shalt  }
0x42: {  	_ =	shalt  }
0x43: {  	_ =	shalt  }
0x44: {  	_ =	shalt  }
0x45: {  	_ =	shalt  }
0x46: {  	_ =	shalt  }
0x47: {  	_ =	shalt  }
0x48: {  	_ =	shalt  }
0x49: {  	_ =	shalt  }
0x4a: {  	_ =	shalt  }
0x4b: {  	_ =	shalt  }
0x4c: {  	_ =	shalt  }
0x4d: {  	_ =	shalt  }
0x4e: {  	_ =	shalt  }
0x4f: {  	_ =	shalt  }
0x50: {  	_ =	shalt  }
0x51: {  	_ =	shalt  }
0x52: {  	_ =	shalt  }
0x53: {  	_ =	shalt  }
0x54: {  	_ =	shalt  }
0x55: {  	_ =	shalt  }
0x56: {  	_ =	shalt  }
0x57: {  	_ =	shalt  }
0x58: {  	_ =	shalt  }
0x59: {  	_ =	shalt  }
0x5a: {  	_ =	shalt  }
0x5b: {  	_ =	shalt  }
0x5c: {  	_ =	shalt  }
0x5d: {  	_ =	shalt  }
0x5e: {  	_ =	shalt  }
0x5f: {  	_ =	shalt  }
0x60: {  	_ =	shalt  }
0x61: {  	_ =	shalt  }
0x62: {  	_ =	shalt  }
0x63: {  	_ =	shalt  }
0x64: {  	_ =	shalt  }
0x65: {  	_ =	shalt  }
0x66: {  	_ =	shalt  }
0x67: {  	_ =	shalt  }
0x68: {  	_ =	shalt  }
0x69: {  	_ =	shalt  }
0x6a: {  	_ =	shalt  }
0x6b: {  	_ =	shalt  }
0x6c: {  	_ =	shalt  }
0x6d: {  	_ =	shalt  }
0x6e: {  	_ =	shalt  }
0x6f: {  	_ =	shalt  }
0x70: {  	_ =	shalt  }
0x71: {  	_ =	shalt  }
0x72: {  	_ =	shalt  }
0x73: {  	_ =	shalt  }
0x74: {  	_ =	shalt  }
0x75: {  	_ =	shalt  }
0x76: {  	_ =	shalt  }
0x77: {  	_ =	shalt  }
0x78: {  	_ =	shalt  }
0x79: {  	_ =	shalt  }
0x7a: {  	_ =	shalt  }
0x7b: {  	_ =	shalt  }
0x7c: {  	_ =	shalt  }
0x7d: {  	_ =	shalt  }
0x7e: {  	_ =	shalt  }
0x7f: {  	_ =	shalt  }
0x80: {  	_ =	shalt  }
0x81: {  	_ =	shalt  }
0x82: {  	_ =	shalt  }
0x83: {  	_ =	shalt  }
0x84: {  	_ =	shalt  }
0x85: {  	_ =	shalt  }
0x86: {  	_ =	shalt  }
0x87: {  	_ =	shalt  }
.Lfunc_end0:
.L_simem_size_0:
called_computation_lowered:
.L_overlay_start_0:
0x88: {  	s2 =	sld [smem:$0x3FD9]  }
0x89: {  	s3 =	sld [smem:$0x3FFE];
	_ =	sdelay $0x1  }
0x8a: {  	s1 =	srdreg.scid  }
0x8b: {  	s0 =	sand.u32 $0x1, s1  }
0x8c: {  	s14 =	sshll.u32 s0, $0xA;
	s2 =	sadd.s32 s3, s2  }
0x8d: {  	s2 =	sadd.s32 s2, s14  }
0x8e: {  	[smem:$0x3FC6] =	sst s2  }
0x8f: {  	_ = 	snop  }
0x90: {  	s2 =	sld [smem:$0x3FD0];
	_ =	sdelay $0x2  }
0x91: {  	s15 =	simm.s32 $0xA;
	s4 =	simm.s32 $0x10  }
0x92: {  	[smem:s4], [sflag:s15] =	dma.local [hbm:s2], $0x1  }
0x93: {  	_ =	swait.eq [sflag:s15], $0x1  }
0x94: {  	[sflag:s15] =	ssyncset.done $0x0  }
0x95: {  	[sflag:s15] =	ssyncadd.s32 $0xFFFFFFFF  }
0x96: {  	s16 =	sld [smem:$0x10];
	(tm) =	ssettm $0x1  }
0x97: {  	s17 =	sld [smem:$0x3FFB];
	_ =	sdelay $0x3  }
0x98: {  	_ =	strace s17  }
0x99: {  	s3 =	sld [smem:$0x3FFC];
	_ =	sdelay $0x3  }
0x9a: {  	_ =	strace s3  }
0x9b: {  	s3 =	sld [smem:$0x3FFD];
	_ =	sdelay $0x3  }
0x9c: {  	_ =	strace s3  }
0x9d: {  	_ =	strace $0x8FFFFFFF  }
0x9e: {  	s18 =	sld [smem:$0x3FDB];
	_ =	sdelay $0x1  }
0x9f: {  	s19 =	simm.s32 $_scs_section_size  }
0xa0: {  	s5 =	simm.s32 $_size__tile_overlayer_lowered;
	s6 =	simm.s32 $_tile_overlayer_lowered  }
0xa1: {  	s22 =	simm.s32 $0x1BFF;
	s21 =	sshll.u32 s6, $0x1;
	s3 =	sadd.s32 s19, s18  }
0xa2: {  	s7 =	simm.s32 $0x0;
	s20 =	sshll.u32 s5, $0x1;
	s5 =	sadd.s32 s21, s3  }
0xa3: {  	[timem:s7], [sflag:s22] =	dma.local [hbm:s5], s20  }
0xa4: {  	_ =	swait.ge [sflag:s22], s20  }
0xa5: {  	s4 =	ssub.s32 $0x0, s20;
	[sflag:s22] =	ssyncset.done $0x0  }
0xa6: {  	[sflag:s22] =	ssyncadd.s32 s4;
	_ =	sdelay $0x1  }
0xa7: {  	s23 =	simm.s32 $0x1B8B  }
0xa8: {  	_ =	swait.ge [sflag:s23], $0x1  }
0xa9: {  	[sflag:s23] =	ssyncset.done $0x0  }
0xaa: {  	s25 =	simm.s32 $0x1B8E;
	s24 =	sld [smem:$0x3FFE];
	[sflag:s23] =	ssyncadd.s32 $0xFFFFFFFF  }
0xab: {  	s26 =	simm.s32 $execute0_lowered;
	[smem:$0x3FD2] =	sst s25  }
0xac: {  	s5 =	sshll.u32 s26, $0x1;
	_ =	strace $0x80000046;
	[dreg:$0x1] =	wrdreg $0xFFFFFFFF  }
0xad: {  	s28 =	simm.s32 $_size_execute0_lowered;
	s3 =	sadd.s32 s3, s5;
	[dreg:$0x0] =	wrdreg $0x0  }
0xae: {  	s5 =	sshll.u32 s28, $0x1;
	[dreg:$0x2] =	wrdreg s3  }
0xaf: {  	[dreg:$0x3] =	wrdreg s5  }
0xb0: {  	[dreg:$0x4] =	wrdreg $0xC0  }
0xb1: {  	_ =	task [dreg:s7], $0x5FFFF  }
0xb2: {  	[dreg:$0x1] =	wrdreg $0xFFFFFFFF  }
0xb3: {  	[dreg:$0x0] =	wrdreg $0x60  }
0xb4: {  	[dreg:$0x2] =	wrdreg s16  }
0xb5: {  	[dreg:$0x3] =	wrdreg s24  }
0xb6: {  	[dreg:$0x4] =	wrdreg $0x9  }
0xb7: {  	_ =	task.clear_ibuf [dreg:s7], $0x5FFFF;
	_ =	strace $0x90000046  }
0xb8: {  	s29 =	simm.s32 $0x9;
	_ =	strace $0x80000048  }
0xb9: {  	_ =	swait.ge [sflag:s29], $0x1  }
0xba: {  	[sflag:s29] =	ssyncadd.s32 $0xFFFFFFFF  }
0xbb: {  	_ =	strace $0x90000048  }
0xbc: {  	_ =	sfence  }
0xbd: {  	s30 =	sld [smem:$0x0];
	_ =	sdelay $0x2  }
0xbe: {  	s31 =	sshll.u32 s1, $0xD;
	s1 =	sshrl.u32 s1, $0x2  }
0xbf: {  	s3 =	sand.u32 $0x4000, s31;
	s1 =	sadd.s32 s1, s30  }
0xc0: {  	s0 =	sor.u32 s3, s0;
	s1 =	sshll.u32 s1, $0x11  }
0xc1: {  	s0 =	sor.u32 s1, s0  }
0xc2: {  	s0 =	sadd.s32 $0x8F2B, s0  }
0xc3: {  	[sflag:s0] =	ssyncadd.remote.s32 $0x1  }
0xc4: {  	_ =	sfence.sel $0xFFFF  }
0xc5: {  	[dreg:$0x0] =	wrdreg $0xFFFFFFFF;
	(pc) =	sbr.abs _section_cstart, $3  }
0xc6: {  	[dreg:$0x1] =	wrdreg $0xFFFFFFFF  }
0xc7: {  	_ =	task.clear_ibuf [dreg:s7], $0x2FFFF;
	_ =	strace $0x9FFFFFFF  }
0xc8: {  	(tm) =	ssettm $0x7FFFFFFF  }
0xc9: {  	_ =	shalt  }
tec
execute0_lowered:
.L_overlay_start_1:
0x0: {  	(tag) =	ssettag $0x1  }
0x1: {  	s2 =	rddreg [dreg:$0x0];
	s0 =	srdreg.scid  }
0x2: {  	s3 =	stileid.u32;
	s1 =	rddreg [dreg:$0x1]  }
0x3: {  	s4 =	simm.s32 $0x0;
	s17 =	simm.s32 $0x200;
	s18 =	simm.s32 $0x400  }
0x4: {  	s28 =	simm.s32 $0x12C00;
	s29 =	simm.s32 $0x4;
	s30 =	simm.s32 $0x15E00  }
0x5: {  	s31 =	simm.s32 $0x5;
	s0 =	sand.u32 $0x1, s0;
	s3 =	sshll.u32 s3, $0x1  }
0x6: {  	s15 =	simm.s32 $0x8;
	s19 =	simm.s32 $0x0;
	s3 =	sor.u32 s0, s3  }
0x7: {  	[smem:$0x7FF] =	sst s4;
	s0 =	ssub.s32 $0x2, s0;
	s21 =	smul.u32 $0x190, s3  }
0x8: {  	s5 =	sadd.s32 $0x3E00, s1;
	s7 =	sshrl.u32 s0, $0x1;
	s4 =	smul.u32 $0x6400, s3  }
0x9: {  	s13 =	sadd.s32 $0x3E40, s1;
	_ =	strace $0x80000047;
	s0 =	ssub.s32 s0, s7  }
0xa: {  	s7 =	sadd.s32 $0x40, s2;
	s6 =	sadd.s32 s21, s1;
	s23 =	sshrl.u32 s4, $0x3  }
0xb: {  	s8 =	sadd.s32 $0xC8000, s4;
	s0 =	smax.u32 s0, $0x1;
	s1 =	simm.s32 $0x6  }
0xc: {  	s22 =	sadd.s32 $0xC00, s6;
	s24 =	sadd.s32 s2, s23;
	[dreg:$0x8] =	wrdreg s0  }
0xd: {  	s3 =	sadd.s32 s23, s7;
	s25 =	sshrl.u32 s8, $0x3;
	[dreg:$0x3] =	wrdreg s22  }
0xe: {  	s23 =	simm.s32 $0xC800;
	s0 =	simm.s32 $0x7;
	[dreg:$0x5] =	wrdreg s3  }
0xf: {  	s3 =	sadd.s32 s2, s25;
	[dreg:$0x4] =	wrdreg s24;
	s26 =	sadd.s32 $0x19040, s24  }
0x10: {  	s22 =	simm.s32 $0x1;
	s24 =	simm.s32 $0x2;
	[dreg:$0x6] =	wrdreg s3  }
0x11: {  	s25 =	simm.s32 $0xFA00;
	[dreg:$0x7] =	wrdreg s26;
	s26 =	simm.s32 $0x3  }
.LBB2_1:
0x12: {  	s3 =	simm.s32 $0x0;
	s6 =	rddreg [dreg:$0x3];
	s9 =	simm.s32 $0x19000  }
0x13: {  	[tilespmem:s9], [sflag:$0x9] =	stream.linear.gather [hbm4b:s6+s3], $0xC80, $0x38;
	[tilespmem:$0x19C80] =	vst v63  }
0x14: {  	s9 =	simm.s32 $0x9  }
0x15: {  	_ =	swait.ge [sflag:s9], $0xC80  }
0x16: {  	[sflag:s9] =	ssyncset.done $0x0  }
0x17: {  	s10 =	rddreg [dreg:$0x4];
	[sflag:s9] =	ssyncadd.s32 $0xFFFFF380  }
0x18: {  	[tilespmem:s3], [sflag:$0x1] =	stream.strided.gather [hbm4b:s10+s17], $0x3200, s18, s17, $0x38;
	[tilespmem:$0x19C80] =	vst v63  }
0x19: {  	s12 =	simm.s32 $0x3200;
	s11 =	rddreg [dreg:$0x5]  }
0x1a: {  	[tilespmem:s12], [sflag:$0x2] =	stream.strided.gather [hbm4b:s11+s17], $0x3200, s18, s17, $0x38;
	[tilespmem:$0x19C80] =	vst v63  }
0x1b: {  	s16 =	simm.s32 $0x6400;
	s14 =	rddreg [dreg:$0x6]  }
0x1c: {  	[tilespmem:s16], [sflag:$0x3] =	stream.strided.gather [hbm4b:s14+s17], $0x3200, s18, s17, $0x38;
	[tilespmem:$0x19C80] =	vst v63  }
0x1d: {  	s21 =	simm.s32 $0x9600;
	s20 =	rddreg [dreg:$0x7]  }
0x1e: {  	[tilespmem:s21], [sflag:$0x4] =	stream.strided.gather [hbm4b:s20+s17], $0x3200, s18, s17, $0x38;
	[tilespmem:$0x19C80] =	vst v63  }
0x1f: {  	s20 =	simm.s32 $0x0  }
.LBB2_2:
0x20: {  	p1 =	seq.s32 s20, $0x0  }
0x21: {  	s3 =	simm.s32 @!p1 $0x5  }
0x22: {  	_ =	swait.ge @!p1 [sflag:s3], $0x3200  }
0x23: {  	[sflag:s3] =	ssyncset.done @!p1 $0x0  }
0x24: {  	[sflag:s3] =	ssyncadd.s32 @!p1 $0xFFFFCE00  }
0x25: {  	s16 =	simm.s32 $0x0;
	_ =	swait.ge [sflag:s22], $0x3200  }
0x26: {  	s6 =	sand.u32 $0x70, s16;
	s3 =	sand.u32 $0x3E00, s16;
	[sflag:s22] =	ssyncset.done $0x0  }
0x27: {  	s3 =	sor.u32 s6, s3;
	[sflag:s22] =	ssyncadd.s32 $0xFFFFCE00  }
0x28: {  	s21 =	simm.s32 $0x0;
	v0 =	vld [tilespmem:s3+$0x0]  }
0x29: {  	v2 =	vld [tilespmem:s21+$0x19000]  }
0x2a: {  	v1 =	vld [tilespmem:s3+$0x80]  }
0x2b: {  	v3 =	vld [tilespmem:s3+$0x100]  }
0x2c: {  	v4 =	vld [tilespmem:s3+$0x180];
	_ =	sdelay $0x1  }
0x2d: {  	s9 =	simm.s32 $0x10;
	s6 =	simm.s32 $0x40;
	v0 =	vmul.f32 v0, v2  }
0x2e: {  	s9 =	sand.u32 $0x70, s9;
	s10 =	sand.u32 $0x3E00, s6;
	v1 =	vmul.f32 v1, v2  }
0x2f: {  	s10 =	sor.u32 s9, s10;
	v3 =	vmul.f32 v3, v2;
	[tilespmem:s3+$0xC800] =	vst v0  }
0x30: {  	v2 =	vmul.f32 v4, v2;
	v0 =	vld [tilespmem:s10+$0x0];
	[tilespmem:s3+$0xC880] =	vst v1  }
0x31: {  	s11 =	simm.s32 $0x20;
	s21 =	sshll.u32 s20, $0x2;
	v1 =	vld [tilespmem:s10+$0x80];
	[tilespmem:s3+$0xC900] =	vst v3  }
.LBB2_3:
0x32: {  	p0 =	sne.s32 s11, $0xC70;
	s9 =	sshra.s32 s6, $0x2;
	v3 =	vld [tilespmem:s10+$0x100];
	[tilespmem:s3+$0xC980] =	vst v2;
	s3 =	smov.u32 s10  }
0x33: {  	v2 =	vld [tilespmem:s9+$0x19000]  }
0x34: {  	v4 =	vld [tilespmem:s3+$0x180];
	_ =	sdelay $0x3  }
.Ltmp0:
0x35: {  	s6 =	sadd.s32 $0x40, s6;
	v0 =	vmul.f32 v0, v2;
	v1 =	vmul.f32 v1, v2;
	(pc) =	sbr.rel @p0 .LBB2_3-.Ltmp0, $4  }
0x36: {  	s9 =	sand.u32 $0x70, s11;
	s10 =	sand.u32 $0x3E00, s6;
	v3 =	vmul.f32 v3, v2;
	v2 =	vmul.f32 v4, v2  }
0x37: {  	s10 =	sor.u32 s9, s10;
	[tilespmem:s3+$0xC800] =	vst v0  }
0x38: {  	v0 =	vld [tilespmem:s10+$0x0];
	[tilespmem:s3+$0xC880] =	vst v1  }
0x39: {  	s11 =	sadd.s32 $0x10, s11;
	v1 =	vld [tilespmem:s10+$0x80];
	[tilespmem:s3+$0xC900] =	vst v3  }
0x3a: {  	v3 =	vld [tilespmem:s10+$0x100];
	s6 =	sshra.s32 s6, $0x2;
	[tilespmem:s3+$0xC980] =	vst v2  }
0x3b: {  	v2 =	vld [tilespmem:s6+$0x19000];
	_ =	sdelay $0x2  }
0x3c: {  	p0 =	seq.s32 s20, $0xF;
	v4 =	vld [tilespmem:s10+$0x180]  }
0x3d: {  	s3 =	sshrl.u32 @!p0 s21, $0x1  }
0x3e: {  	s3 =	smul.u32 @!p0 $0xC8000, s3;
	v0 =	vmul.f32 v0, v2  }
0x3f: {  	v1 =	vmul.f32 v1, v2  }
0x40: {  	s3 =	sadd.s32 @!p0 s4, s3;
	v3 =	vmul.f32 v3, v2;
	[tilespmem:s10+$0xC800] =	vst v0  }
0x41: {  	s3 =	sadd.s32 @!p0 $0x190000, s3;
	v0 =	vmul.f32 v4, v2;
	[tilespmem:s10+$0xC880] =	vst v1  }
0x42: {  	s11 =	simm.s32 @!p0 $0x200;
	s12 =	simm.s32 @!p0 $0x0;
	s6 =	sshrl.u32 @!p0 s3, $0x3;
	[tilespmem:s10+$0xC900] =	vst v3  }
0x43: {  	s3 =	smul.u32 $0x190000, s20;
	s9 =	sadd.s32 @!p0 s2, s6;
	[tilespmem:s10+$0xC980] =	vst v0;
	s10 =	simm.s32 @!p0 $0x400  }
0x44: {  	[tilespmem:s12], [sflag:$0x1] =	stream.strided.gather @!p0 [hbm4b:s9+s11], $0x3200, s10, s11, $0x38;
	[tilespmem:$0x19C80] =	vst v63  }
0x45: {  	s10 =	sadd.s32 s4, s3  }
0x46: {  	s10 =	sshrl.u32 s10, $0x3  }
0x47: {  	s9 =	sadd.s32 s5, s10  }
0x48: {  	[hbm4b:s9+s17] =	stream.strided.scatter [tilespmem:s23], [sflag:$0x5], $0x3200, s18, s17, $0x38;
	[tilespmem:$0x19C80] =	vst v63  }
0x49: {  	s9 =	simm.s32 @!p1 $0x6  }
0x4a: {  	_ =	swait.ge @!p1 [sflag:s9], $0x3200  }
0x4b: {  	[sflag:s9] =	ssyncset.done @!p1 $0x0  }
0x4c: {  	[sflag:s9] =	ssyncadd.s32 @!p1 $0xFFFFCE00  }
0x4d: {  	s11 =	simm.s32 $0x0;
	_ =	swait.ge [sflag:s24], $0x3200  }
0x4e: {  	s12 =	sand.u32 $0x70, s11;
	s9 =	sand.u32 $0x3E00, s11;
	[sflag:s24] =	ssyncset.done $0x0  }
0x4f: {  	s11 =	sor.u32 s12, s9;
	[sflag:s24] =	ssyncadd.s32 $0xFFFFCE00  }
0x50: {  	s14 =	simm.s32 $0x0;
	v0 =	vld [tilespmem:s11+$0x3200]  }
0x51: {  	v2 =	vld [tilespmem:s14+$0x19000]  }
0x52: {  	v1 =	vld [tilespmem:s11+$0x3280]  }
0x53: {  	v3 =	vld [tilespmem:s11+$0x3300]  }
0x54: {  	v63 =	vld [tilespmem:s11+$0x3380];
	_ =	sdelay $0x1  }
0x55: {  	s16 =	simm.s32 $0x10;
	s12 =	simm.s32 $0x40;
	v0 =	vmul.f32 v0, v2  }
0x56: {  	s9 =	sand.u32 $0x70, s16;
	s14 =	sand.u32 $0x3E00, s12;
	v1 =	vmul.f32 v1, v2  }
0x57: {  	s14 =	sor.u32 s9, s14;
	v3 =	vmul.f32 v3, v2;
	[tilespmem:s11+$0xFA00] =	vst v0  }
0x58: {  	v2 =	vmul.f32 v63, v2;
	v0 =	vld [tilespmem:s14+$0x3200];
	[tilespmem:s11+$0xFA80] =	vst v1  }
0x59: {  	s9 =	simm.s32 $0x20;
	v1 =	vld [tilespmem:s14+$0x3280];
	[tilespmem:s11+$0xFB00] =	vst v3  }
.LBB2_5:
0x5a: {  	p2 =	sne.s32 s9, $0xC70;
	s16 =	sshra.s32 s12, $0x2;
	v3 =	vld [tilespmem:s14+$0x3300];
	[tilespmem:s11+$0xFB80] =	vst v2;
	s11 =	smov.u32 s14  }
0x5b: {  	v2 =	vld [tilespmem:s16+$0x19000]  }
0x5c: {  	v4 =	vld [tilespmem:s11+$0x3380];
	_ =	sdelay $0x3  }
.Ltmp1:
0x5d: {  	s12 =	sadd.s32 $0x40, s12;
	v0 =	vmul.f32 v0, v2;
	v1 =	vmul.f32 v1, v2;
	(pc) =	sbr.rel @p2 .LBB2_5-.Ltmp1, $4  }
0x5e: {  	s14 =	sand.u32 $0x70, s9;
	s16 =	sand.u32 $0x3E00, s12;
	v3 =	vmul.f32 v3, v2;
	v2 =	vmul.f32 v4, v2  }
0x5f: {  	s14 =	sor.u32 s14, s16;
	[tilespmem:s11+$0xFA00] =	vst v0  }
0x60: {  	v0 =	vld [tilespmem:s14+$0x3200];
	[tilespmem:s11+$0xFA80] =	vst v1  }
0x61: {  	s9 =	sadd.s32 $0x10, s9;
	v1 =	vld [tilespmem:s14+$0x3280];
	[tilespmem:s11+$0xFB00] =	vst v3  }
0x62: {  	v3 =	vld [tilespmem:s14+$0x3300];
	s9 =	sshra.s32 s12, $0x2;
	[tilespmem:s11+$0xFB80] =	vst v2  }
0x63: {  	v2 =	vld [tilespmem:s9+$0x19000];
	_ =	sdelay $0x2  }
0x64: {  	v4 =	vld [tilespmem:s14+$0x3380];
	_ =	sdelay $0x1  }
0x65: {  	v0 =	vmul.f32 v0, v2  }
0x66: {  	v1 =	vmul.f32 v1, v2  }
0x67: {  	v3 =	vmul.f32 v3, v2;
	[tilespmem:s14+$0xFA00] =	vst v0  }
0x68: {  	v0 =	vmul.f32 v4, v2;
	[tilespmem:s14+$0xFA80] =	vst v1  }
0x69: {  	s6 =	sadd.s32 @!p0 s6, s7;
	[tilespmem:s14+$0xFB00] =	vst v3  }
0x6a: {  	s11 =	simm.s32 @!p0 $0x400;
	s12 =	simm.s32 @!p0 $0x3200;
	s9 =	simm.s32 @!p0 $0x200;
	[tilespmem:s14+$0xFB80] =	vst v0  }
0x6b: {  	[tilespmem:s12], [sflag:$0x2] =	stream.strided.gather @!p0 [hbm4b:s6+s9], $0x3200, s11, s9, $0x38;
	[tilespmem:$0x19C80] =	vst v63  }
0x6c: {  	s9 =	sadd.s32 s10, s13;
	s6 =	simm.s32 @!p1 $0x7  }
0x6d: {  	[hbm4b:s9+s17] =	stream.strided.scatter [tilespmem:s25], [sflag:$0x6], $0x3200, s18, s17, $0x38;
	[tilespmem:$0x19C80] =	vst v63  }
0x6e: {  	_ =	swait.ge @!p1 [sflag:s6], $0x3200  }
0x6f: {  	[sflag:s6] =	ssyncset.done @!p1 $0x0  }
0x70: {  	[sflag:s6] =	ssyncadd.s32 @!p1 $0xFFFFCE00  }
0x71: {  	s10 =	simm.s32 $0x0;
	_ =	swait.ge [sflag:s26], $0x3200  }
0x72: {  	s11 =	sand.u32 $0x70, s10;
	s6 =	sand.u32 $0x3E00, s10;
	[sflag:s26] =	ssyncset.done $0x0  }
0x73: {  	s6 =	sor.u32 s11, s6;
	[sflag:s26] =	ssyncadd.s32 $0xFFFFCE00  }
0x74: {  	s12 =	simm.s32 $0x0;
	v0 =	vld [tilespmem:s6+$0x6400]  }
0x75: {  	v2 =	vld [tilespmem:s12+$0x19000]  }
0x76: {  	v1 =	vld [tilespmem:s6+$0x6480]  }
0x77: {  	v3 =	vld [tilespmem:s6+$0x6500]  }
0x78: {  	v63 =	vld [tilespmem:s6+$0x6580];
	_ =	sdelay $0x1  }
0x79: {  	s14 =	simm.s32 $0x10;
	s10 =	simm.s32 $0x40;
	v0 =	vmul.f32 v0, v2  }
0x7a: {  	s9 =	sand.u32 $0x70, s14;
	s16 =	sand.u32 $0x3E00, s10;
	v1 =	vmul.f32 v1, v2  }
0x7b: {  	s11 =	sor.u32 s9, s16;
	v3 =	vmul.f32 v3, v2;
	[tilespmem:s6+$0x12C00] =	vst v0  }
0x7c: {  	v2 =	vmul.f32 v63, v2;
	v0 =	vld [tilespmem:s11+$0x6400];
	[tilespmem:s6+$0x12C80] =	vst v1  }
0x7d: {  	s9 =	simm.s32 $0x20;
	v1 =	vld [tilespmem:s11+$0x6480];
	[tilespmem:s6+$0x12D00] =	vst v3  }
.LBB2_7:
0x7e: {  	p2 =	sne.s32 s9, $0xC70;
	s12 =	sshra.s32 s10, $0x2;
	v3 =	vld [tilespmem:s11+$0x6500];
	[tilespmem:s6+$0x12D80] =	vst v2;
	s6 =	smov.u32 s11  }
0x7f: {  	v2 =	vld [tilespmem:s12+$0x19000]  }
0x80: {  	v4 =	vld [tilespmem:s6+$0x6580];
	_ =	sdelay $0x3  }
.Ltmp2:
0x81: {  	s10 =	sadd.s32 $0x40, s10;
	v0 =	vmul.f32 v0, v2;
	v1 =	vmul.f32 v1, v2;
	(pc) =	sbr.rel @p2 .LBB2_7-.Ltmp2, $4  }
0x82: {  	s11 =	sand.u32 $0x70, s9;
	s12 =	sand.u32 $0x3E00, s10;
	v3 =	vmul.f32 v3, v2;
	v2 =	vmul.f32 v4, v2  }
0x83: {  	s11 =	sor.u32 s11, s12;
	[tilespmem:s6+$0x12C00] =	vst v0  }
0x84: {  	v0 =	vld [tilespmem:s11+$0x6400];
	[tilespmem:s6+$0x12C80] =	vst v1  }
0x85: {  	s9 =	sadd.s32 $0x10, s9;
	v1 =	vld [tilespmem:s11+$0x6480];
	[tilespmem:s6+$0x12D00] =	vst v3  }
0x86: {  	v3 =	vld [tilespmem:s11+$0x6500];
	s9 =	sshra.s32 s10, $0x2;
	[tilespmem:s6+$0x12D80] =	vst v2  }
0x87: {  	v2 =	vld [tilespmem:s9+$0x19000];
	_ =	sdelay $0x2  }
0x88: {  	v4 =	vld [tilespmem:s11+$0x6580]  }
0x89: {  	s6 =	sadd.s32 @!p0 $0x6, s21  }
0x8a: {  	s6 =	sshrl.u32 @!p0 s6, $0x1;
	v0 =	vmul.f32 v0, v2  }
0x8b: {  	s6 =	smul.u32 @!p0 $0xC8000, s6;
	v1 =	vmul.f32 v1, v2  }
0x8c: {  	v3 =	vmul.f32 v3, v2;
	[tilespmem:s11+$0x12C00] =	vst v0  }
0x8d: {  	s10 =	simm.s32 @!p0 $0x200;
	s6 =	sadd.s32 @!p0 s4, s6;
	v0 =	vmul.f32 v4, v2;
	[tilespmem:s11+$0x12C80] =	vst v1  }
0x8e: {  	s12 =	simm.s32 @!p0 $0x6400;
	s3 =	sadd.s32 s3, s8;
	s6 =	sshrl.u32 @!p0 s6, $0x3;
	[tilespmem:s11+$0x12D00] =	vst v3  }
0x8f: {  	s3 =	sshrl.u32 s3, $0x3;
	s9 =	sadd.s32 @!p0 s2, s6;
	[tilespmem:s11+$0x12D80] =	vst v0;
	s11 =	simm.s32 @!p0 $0x400  }
0x90: {  	[tilespmem:s12], [sflag:$0x3] =	stream.strided.gather @!p0 [hbm4b:s9+s10], $0x3200, s11, s10, $0x38;
	[tilespmem:$0x19C80] =	vst v63  }
0x91: {  	s10 =	sadd.s32 s5, s3;
	s9 =	simm.s32 @!p1 $0x8  }
0x92: {  	[hbm4b:s10+s17] =	stream.strided.scatter [tilespmem:s28], [sflag:$0x7], $0x3200, s18, s17, $0x38;
	[tilespmem:$0x19C80] =	vst v63  }
0x93: {  	_ =	swait.ge @!p1 [sflag:s9], $0x3200  }
0x94: {  	[sflag:s9] =	ssyncset.done @!p1 $0x0  }
0x95: {  	[sflag:s9] =	ssyncadd.s32 @!p1 $0xFFFFCE00  }
0x96: {  	s11 =	simm.s32 $0x0;
	_ =	swait.ge [sflag:s29], $0x3200  }
0x97: {  	s12 =	sand.u32 $0x70, s11;
	s9 =	sand.u32 $0x3E00, s11;
	[sflag:s29] =	ssyncset.done $0x0  }
0x98: {  	s10 =	sor.u32 s12, s9;
	[sflag:s29] =	ssyncadd.s32 $0xFFFFCE00  }
0x99: {  	s14 =	simm.s32 $0x0;
	v0 =	vld [tilespmem:s10+$0x9600]  }
0x9a: {  	v2 =	vld [tilespmem:s14+$0x19000]  }
0x9b: {  	v1 =	vld [tilespmem:s10+$0x9680]  }
0x9c: {  	v3 =	vld [tilespmem:s10+$0x9700]  }
0x9d: {  	v63 =	vld [tilespmem:s10+$0x9780];
	_ =	sdelay $0x1  }
0x9e: {  	s16 =	simm.s32 $0x10;
	s11 =	simm.s32 $0x40;
	v0 =	vmul.f32 v0, v2  }
0x9f: {  	s9 =	sand.u32 $0x70, s16;
	s21 =	sand.u32 $0x3E00, s11;
	v1 =	vmul.f32 v1, v2  }
0xa0: {  	s12 =	sor.u32 s9, s21;
	v3 =	vmul.f32 v3, v2;
	[tilespmem:s10+$0x15E00] =	vst v0  }
0xa1: {  	v2 =	vmul.f32 v63, v2;
	v0 =	vld [tilespmem:s12+$0x9600];
	[tilespmem:s10+$0x15E80] =	vst v1  }
0xa2: {  	s9 =	simm.s32 $0x20;
	v1 =	vld [tilespmem:s12+$0x9680];
	[tilespmem:s10+$0x15F00] =	vst v3  }
.LBB2_9:
0xa3: {  	p1 =	sne.s32 s9, $0xC70;
	s14 =	sshra.s32 s11, $0x2;
	v3 =	vld [tilespmem:s12+$0x9700];
	[tilespmem:s10+$0x15F80] =	vst v2;
	s10 =	smov.u32 s12  }
0xa4: {  	v2 =	vld [tilespmem:s14+$0x19000]  }
0xa5: {  	v4 =	vld [tilespmem:s10+$0x9780];
	_ =	sdelay $0x3  }
.Ltmp3:
0xa6: {  	s11 =	sadd.s32 $0x40, s11;
	v0 =	vmul.f32 v0, v2;
	v1 =	vmul.f32 v1, v2;
	(pc) =	sbr.rel @p1 .LBB2_9-.Ltmp3, $4  }
0xa7: {  	s12 =	sand.u32 $0x70, s9;
	s14 =	sand.u32 $0x3E00, s11;
	v3 =	vmul.f32 v3, v2;
	v2 =	vmul.f32 v4, v2  }
0xa8: {  	s12 =	sor.u32 s12, s14;
	[tilespmem:s10+$0x15E00] =	vst v0  }
0xa9: {  	v0 =	vld [tilespmem:s12+$0x9600];
	[tilespmem:s10+$0x15E80] =	vst v1  }
0xaa: {  	s9 =	sadd.s32 $0x10, s9;
	v1 =	vld [tilespmem:s12+$0x9680];
	[tilespmem:s10+$0x15F00] =	vst v3  }
0xab: {  	v3 =	vld [tilespmem:s12+$0x9700];
	s9 =	sshra.s32 s11, $0x2;
	[tilespmem:s10+$0x15F80] =	vst v2  }
0xac: {  	v2 =	vld [tilespmem:s9+$0x19000];
	_ =	sdelay $0x2  }
0xad: {  	v4 =	vld [tilespmem:s12+$0x9780];
	_ =	sdelay $0x1  }
0xae: {  	v0 =	vmul.f32 v0, v2  }
0xaf: {  	v1 =	vmul.f32 v1, v2  }
0xb0: {  	v3 =	vmul.f32 v3, v2;
	[tilespmem:s12+$0x15E00] =	vst v0  }
0xb1: {  	v63 =	vmul.f32 v4, v2;
	[tilespmem:s12+$0x15E80] =	vst v1  }
0xb2: {  	s6 =	sadd.s32 @!p0 s6, s7;
	s10 =	simm.s32 @!p0 $0x400;
	[tilespmem:s12+$0x15F00] =	vst v3  }
0xb3: {  	s11 =	simm.s32 @!p0 $0x9600;
	s20 =	sadd.s32 $0x1, s20;
	s9 =	simm.s32 @!p0 $0x200;
	[tilespmem:s12+$0x15F80] =	vst v63  }
0xb4: {  	[tilespmem:s11], [sflag:$0x4] =	stream.strided.gather @!p0 [hbm4b:s6+s9], $0x3200, s10, s9, $0x38;
	[tilespmem:$0x19C80] =	vst v63  }
0xb5: {  	p0 =	sne.s32 s20, $0x10  }
.Ltmp4:
0xb6: {  	_ = 	snop;
	(pc) =	sbr.rel @p0 .LBB2_2-.Ltmp4, $3  }
0xb7: {  	_ =	sdelay $0x1  }
0xb8: {  	s3 =	sadd.s32 s3, s13  }
0xb9: {  	[hbm4b:s3+s17] =	stream.strided.scatter [tilespmem:s30], [sflag:$0x8], $0x3200, s18, s17, $0x38;
	[tilespmem:$0x19C80] =	vst v63  }
0xba: {  	_ =	swait.ge [sflag:s31], $0x3200  }
0xbb: {  	[sflag:s31] =	ssyncset.done $0x0  }
0xbc: {  	[sflag:s31] =	ssyncadd.s32 $0xFFFFCE00  }
0xbd: {  	_ =	swait.ge [sflag:s1], $0x3200  }
0xbe: {  	[sflag:s1] =	ssyncset.done $0x0  }
0xbf: {  	[sflag:s1] =	ssyncadd.s32 $0xFFFFCE00  }
0xc0: {  	_ =	swait.ge [sflag:s0], $0x3200  }
0xc1: {  	[sflag:s0] =	ssyncset.done $0x0  }
0xc2: {  	[sflag:s0] =	ssyncadd.s32 $0xFFFFCE00  }
0xc3: {  	_ =	swait.ge [sflag:s15], $0x3200  }
0xc4: {  	s19 =	sadd.s32 $0x1, s19;
	s3 =	rddreg [dreg:$0x8]  }
0xc5: {  	p0 =	sne.s32 s19, s3  }
.Ltmp5:
0xc6: {  	_ = 	snop;
	(pc) =	sbr.rel @p0 .LBB2_1-.Ltmp5, $3  }
0xc7: {  	_ =	sdelay $0x1  }
0xc8: {  	[sflag:s15] =	ssyncset.done $0x0  }
0xc9: {  	[sflag:s15] =	ssyncadd.s32 $0xFFFFCE00  }
0xca: {  	_ =	sfence.sel $0x180000  }
0xcb: {  	[bflag:$0x0] =	sbarrier.arrive $0xFFFF  }
0xcc: {  	_ =	strace $0x90000047  }
0xcd: {  	s0 =	stileid.u32;
	[bflag:$0x2] =	sbarrier.arrive $0xFFFF  }
0xce: {  	p0 =	sne.s32 s0, $0x0;
	s0 =	rddreg [dreg:$0x2]  }
0xcf: {  	s0 =	sadd.s32 @!p0 $0x100000, s0  }
0xd0: {  	[sflag:s0] =	ssyncadd.tile.s32 @!p0 $0x1;
	_ =	shalt  }
.Lfunc_end2:
_tile_overlayer_lowered:
.L_overlay_start_2:
0xd1: {  	(tag) =	ssettag $0x2  }
0xd2: {  	s0 =	rddreg [dreg:$0x0];
	s2 =	stileid.u32  }
0xd3: {  	s1 =	rddreg [dreg:$0x1];
	p0 =	sne.s32 s2, $0x0  }
0xd4: {  	s3 =	rddreg [dreg:$0x2];
	[bflag:$0x3] =	sbarrier.arrive $0xFFFF;
	s2 =	simm.s32 @!p0 $0x1C09  }
0xd5: {  	[timem:s3], [sflag:s2] =	dma.local @!p0 [hbm:s0], s1  }
0xd6: {  	s0 =	simm.s32 @!p0 $0x9  }
0xd7: {  	_ =	swait.ge @!p0 [sflag:s0], s1  }
0xd8: {  	s1 =	ssub.s32 @!p0 $0x0, s1;
	[sflag:s0] =	ssyncset.done @!p0 $0x0  }
0xd9: {  	[sflag:s0] =	ssyncadd.s32 @!p0 s1  }
0xda: {  	[bflag:$0x3] =	sbarrier.arrive $0xFFFF  }
0xdb: {  	_ =	shalt  }

</sc_bundles>
